<compile_context>
chip_gen: v7x
topology: tpu7x:2x2x1
jax: 0.10.2.dev20260603
libtpu: 0.0.44.dev20260713+nightly
codegen_flags: <defaults>
</compile_context>

<pallas_src>
import numpy as np
import jax
import jax.numpy as jnp
from jax.experimental import pallas as pl
from jax.experimental.pallas import tpu as pltpu

N = 20000
PRE = 2000
P = 2048
POST = 1000
B = 256
NB = P // B
NMS_THRESH = 0.7
IMG_H, IMG_W = 1024.0, 1024.0
SCALE_CLAMP = float(np.log(1000.0 / 16.0))
NEG = -1e10


def _decode_cols(anc, dlt):
    x1 = anc[:, 0:1]
    y1 = anc[:, 1:2]
    x2 = anc[:, 2:3]
    y2 = anc[:, 3:4]
    dx = dlt[:, 0:1]
    dy = dlt[:, 1:2]
    dw = jnp.minimum(dlt[:, 2:3], SCALE_CLAMP)
    dh = jnp.minimum(dlt[:, 3:4], SCALE_CLAMP)
    w = x2 - x1
    h = y2 - y1
    cx = x1 + 0.5 * w
    cy = y1 + 0.5 * h
    pcx = dx * w + cx
    pcy = dy * h + cy
    pw = jnp.exp(dw) * w
    ph = jnp.exp(dh) * h
    bx1 = jnp.clip(pcx - 0.5 * pw, 0.0, IMG_W)
    by1 = jnp.clip(pcy - 0.5 * ph, 0.0, IMG_H)
    bx2 = jnp.clip(pcx + 0.5 * pw, 0.0, IMG_W)
    by2 = jnp.clip(pcy + 0.5 * ph, 0.0, IMG_H)
    return bx1, by1, bx2, by2


def _decode_rows(anc_t, dlt_t):
    x1 = anc_t[0:1, :]
    y1 = anc_t[1:2, :]
    x2 = anc_t[2:3, :]
    y2 = anc_t[3:4, :]
    dx = dlt_t[0:1, :]
    dy = dlt_t[1:2, :]
    dw = jnp.minimum(dlt_t[2:3, :], SCALE_CLAMP)
    dh = jnp.minimum(dlt_t[3:4, :], SCALE_CLAMP)
    w = x2 - x1
    h = y2 - y1
    cx = x1 + 0.5 * w
    cy = y1 + 0.5 * h
    pcx = dx * w + cx
    pcy = dy * h + cy
    pw = jnp.exp(dw) * w
    ph = jnp.exp(dh) * h
    bx1 = jnp.clip(pcx - 0.5 * pw, 0.0, IMG_W)
    by1 = jnp.clip(pcy - 0.5 * ph, 0.0, IMG_H)
    bx2 = jnp.clip(pcx + 0.5 * pw, 0.0, IMG_W)
    by2 = jnp.clip(pcy + 0.5 * ph, 0.0, IMG_H)
    return bx1, by1, bx2, by2


def _nms_kernel(anc_ref, dlt_ref, anc_t_ref, dlt_t_ref, sc_ref,
                boxes_ref, scores_ref, s_ref):
    cx1, cy1, cx2, cy2 = _decode_cols(anc_ref[...], dlt_ref[...])
    boxes_ref[:, 0:1] = cx1
    boxes_ref[:, 1:2] = cy1
    boxes_ref[:, 2:3] = cx2
    boxes_ref[:, 3:4] = cy2

    rx1, ry1, rx2, ry2 = _decode_rows(anc_t_ref[...], dlt_t_ref[...])
    area_r = (rx2 - rx1) * (ry2 - ry1)
    valid_r = ((rx2 - rx1) > 0.0) & ((ry2 - ry1) > 0.0)

    col_iota = jax.lax.broadcasted_iota(jnp.int32, (1, P), 1)
    for r in range(NB):
        lo = r * B
        hi = lo + B
        bx1 = cx1[lo:hi, :]
        by1 = cy1[lo:hi, :]
        bx2 = cx2[lo:hi, :]
        by2 = cy2[lo:hi, :]
        a_i = (bx2 - bx1) * (by2 - by1)
        iw = jnp.minimum(bx2, rx2) - jnp.maximum(bx1, rx1)
        ih = jnp.minimum(by2, ry2) - jnp.maximum(by1, ry1)
        inter = jnp.maximum(iw, 0.0) * jnp.maximum(ih, 0.0)
        union = a_i + area_r - inter
        iou = inter / jnp.maximum(union, 1e-6)
        row_iota = jax.lax.broadcasted_iota(jnp.int32, (B, 1), 0) + lo
        s_ref[lo:hi, :] = jnp.where(
            (iou > NMS_THRESH) & (row_iota < col_iota), 1.0, 0.0)

    valid_f = jnp.where(valid_r, 1.0, 0.0)

    def cond(carry):
        _, changed = carry
        return changed > 0

    def body(carry):
        keep, _ = carry
        sup = jax.lax.dot_general(
            keep, s_ref[...], (((1,), (0,)), ((), ())),
            preferred_element_type=jnp.float32)
        new = jnp.where(sup > 0.0, 0.0, valid_f)
        changed = jnp.sum(jnp.abs(new - keep)).astype(jnp.int32)
        return new, changed

    keep, _ = jax.lax.while_loop(cond, body, (valid_f, jnp.int32(1)))
    scores_ref[...] = jnp.where(keep > 0.0, sc_ref[...], NEG)


def _run_nms(anc_p, dlt_p, anc_t, dlt_t, sc_p):
    return pl.pallas_call(
        _nms_kernel,
        out_shape=[
            jax.ShapeDtypeStruct((P, 4), jnp.float32),
            jax.ShapeDtypeStruct((1, P), jnp.float32),
        ],
        scratch_shapes=[pltpu.VMEM((P, P), jnp.float32)],
    )(anc_p, dlt_p, anc_t, dlt_t, sc_p)


def kernel(anchors, pred_objectness_logits, pred_anchor_deltas):
    scores, idx = jax.lax.top_k(pred_objectness_logits, PRE)
    anc = anchors[idx]
    dlt = pred_anchor_deltas[idx]
    pad = P - PRE
    anc_p = jnp.pad(anc, ((0, pad), (0, 0)))
    dlt_p = jnp.pad(dlt, ((0, pad), (0, 0)))
    sc_p = jnp.pad(scores, (0, pad), constant_values=NEG).reshape(1, P)
    anc_t = jnp.pad(anc_p.T, ((0, 4), (0, 0)))
    dlt_t = jnp.pad(dlt_p.T, ((0, 4), (0, 0)))
    boxes, fsc = _run_nms(anc_p, dlt_p, anc_t, dlt_t, sc_p)
    ps, pi = jax.lax.top_k(fsc.reshape(P), POST)
    pb = boxes[pi]
    return jnp.concatenate([pb, ps[:, None]], axis=1)

# --- scband reference (transcript-rebuilt; emitter-appended) ---
"""Pipeline reference for scband-rpn-26431228739782 (READ-ONLY COPY).

The authoritative reference and input builder live on the scoring server;
editing this copy changes nothing except your own understanding.
"""

import jax, jax.numpy as jnp
import numpy as np

N = 20000
PRE_NMS_TOPK = 2000
POST_NMS_TOPK = 1000
NMS_THRESH = 0.7
MIN_BOX_SIZE = 0.0
IMG_H, IMG_W = 1024.0, 1024.0
SCALE_CLAMP = float(np.log(1000.0 / 16.0))
NEG = -1e10


def setup_inputs(seed: int = 0):
    key = jax.random.key(seed)
    k1, k2, k3, k4 = jax.random.split(key, 4)
    ctr = jax.random.uniform(k1, (N, 2), minval=0.0, maxval=1024.0)
    wh = jax.random.uniform(k2, (N, 2), minval=16.0, maxval=256.0)
    anchors = jnp.concatenate([ctr - wh / 2.0, ctr + wh / 2.0], axis=1).astype(jnp.float32)
    logits = jax.random.normal(k3, (N,), dtype=jnp.float32)
    deltas = (jax.random.normal(k4, (N, 4), dtype=jnp.float32) * 0.1)
    return {"anchors": anchors, "pred_objectness_logits": logits, "pred_anchor_deltas": deltas}


def _apply_deltas(anchors, deltas):
    widths = anchors[:, 2] - anchors[:, 0]
    heights = anchors[:, 3] - anchors[:, 1]
    ctr_x = anchors[:, 0] + 0.5 * widths
    ctr_y = anchors[:, 1] + 0.5 * heights
    dx, dy, dw, dh = deltas[:, 0], deltas[:, 1], deltas[:, 2], deltas[:, 3]
    dw = jnp.minimum(dw, SCALE_CLAMP)
    dh = jnp.minimum(dh, SCALE_CLAMP)
    pcx = dx * widths + ctr_x
    pcy = dy * heights + ctr_y
    pw = jnp.exp(dw) * widths
    ph = jnp.exp(dh) * heights
    return jnp.stack([pcx - 0.5 * pw, pcy - 0.5 * ph, pcx + 0.5 * pw, pcy + 0.5 * ph], axis=1)


def _pairwise_iou(boxes):
    area = (boxes[:, 2] - boxes[:, 0]) * (boxes[:, 3] - boxes[:, 1])
    lt = jnp.maximum(boxes[:, None, :2], boxes[None, :, :2])
    rb = jnp.minimum(boxes[:, None, 2:], boxes[None, :, 2:])
    wh = jnp.clip(rb - lt, 0.0, None)
    inter = wh[..., 0] * wh[..., 1]
    union = area[:, None] + area[None, :] - inter
    return inter / jnp.maximum(union, 1e-6)


def _forward(anchors, logits, deltas):
    # decode proposals from anchors (Box2BoxTransform.apply_deltas, weights=(1,1,1,1))
    boxes_all = _apply_deltas(anchors, deltas)
    # pre-NMS topk by objectness logits
    scores, idx = jax.lax.top_k(logits, PRE_NMS_TOPK)
    boxes = boxes_all[idx]
    # clip to image
    x1 = jnp.clip(boxes[:, 0], 0.0, IMG_W)
    y1 = jnp.clip(boxes[:, 1], 0.0, IMG_H)
    x2 = jnp.clip(boxes[:, 2], 0.0, IMG_W)
    y2 = jnp.clip(boxes[:, 3], 0.0, IMG_H)
    boxes = jnp.stack([x1, y1, x2, y2], axis=1)
    # remove tiny boxes
    w = boxes[:, 2] - boxes[:, 0]
    h = boxes[:, 3] - boxes[:, 1]
    valid = (w > MIN_BOX_SIZE) & (h > MIN_BOX_SIZE)
    scores = jnp.where(valid, scores, NEG)
    # greedy NMS (boxes already sorted descending by score from top_k)
    iou = _pairwise_iou(boxes)
    suppress = iou > NMS_THRESH
    ar = jnp.arange(PRE_NMS_TOPK)
    def body(i, keep):
        row = suppress[i] & (ar > i)
        return jnp.where(keep[i], keep & (~row), keep)
    keep = jax.lax.fori_loop(0, PRE_NMS_TOPK, body, valid)
    final_scores = jnp.where(keep, scores, NEG)
    ps, pi = jax.lax.top_k(final_scores, POST_NMS_TOPK)
    pb = boxes[pi]
    return jnp.concatenate([pb, ps[:, None]], axis=1)


def reference(anchors, pred_objectness_logits, pred_anchor_deltas):
    return _forward(anchors, pred_objectness_logits, pred_anchor_deltas)

if __name__ == "__main__":
    import jax
    _d = setup_inputs()
    print(jax.jit(kernel)(*tuple(_d.values())))

</pallas_src>

<mosaic_0001>
module attributes {stable_mosaic.version = 14 : i64} {
  func.func @_nms_kernel(%arg0: memref<2048x4xf32, #tpu.memory_space<vmem>>, %arg1: memref<2048x4xf32, #tpu.memory_space<vmem>>, %arg2: memref<8x2048xf32, #tpu.memory_space<vmem>>, %arg3: memref<8x2048xf32, #tpu.memory_space<vmem>>, %arg4: memref<1x2048xf32, #tpu.memory_space<vmem>>, %arg5: memref<2048x4xf32, #tpu.memory_space<vmem>>, %arg6: memref<1x2048xf32, #tpu.memory_space<vmem>>, %arg7: memref<2048x2048xf32, #tpu.memory_space<vmem>>) attributes {dimension_semantics = [], scalar_prefetch = 0 : i64, scratch_operands = 1 : i64, tpu.core_type = #tpu.core_type<tc>} {
    %get3A = arith.constant 0 : index
    %get3A_0 = arith.constant 0 : index
    %get3A_1 = vector.load %arg0[%get3A, %get3A_0] : memref<2048x4xf32, #tpu.memory_space<vmem>>, vector<2048x4xf32>
    %get3A_2 = arith.constant 0 : index
    %get3A_3 = arith.constant 0 : index
    %get3A_4 = vector.load %arg1[%get3A_2, %get3A_3] : memref<2048x4xf32, #tpu.memory_space<vmem>>, vector<2048x4xf32>
    %slice3A = vector.extract_strided_slice %get3A_1 {offsets = [0, 0], sizes = [2048, 1], strides = [1, 1]} : vector<2048x4xf32> to vector<2048x1xf32>
    %slice3A_5 = vector.extract_strided_slice %get3A_1 {offsets = [0, 1], sizes = [2048, 1], strides = [1, 1]} : vector<2048x4xf32> to vector<2048x1xf32>
    %slice3A_6 = vector.extract_strided_slice %get3A_1 {offsets = [0, 2], sizes = [2048, 1], strides = [1, 1]} : vector<2048x4xf32> to vector<2048x1xf32>
    %slice3A_7 = vector.extract_strided_slice %get3A_1 {offsets = [0, 3], sizes = [2048, 1], strides = [1, 1]} : vector<2048x4xf32> to vector<2048x1xf32>
    %slice3A_8 = vector.extract_strided_slice %get3A_4 {offsets = [0, 0], sizes = [2048, 1], strides = [1, 1]} : vector<2048x4xf32> to vector<2048x1xf32>
    %slice3A_9 = vector.extract_strided_slice %get3A_4 {offsets = [0, 1], sizes = [2048, 1], strides = [1, 1]} : vector<2048x4xf32> to vector<2048x1xf32>
    %slice3A_10 = vector.extract_strided_slice %get3A_4 {offsets = [0, 2], sizes = [2048, 1], strides = [1, 1]} : vector<2048x4xf32> to vector<2048x1xf32>
    %min3A = arith.constant 4.13516665 : f32
    %min3A_11 = vector.broadcast %min3A : f32 to vector<2048x1xf32>
    %min3A_12 = arith.minimumf %slice3A_10, %min3A_11 : vector<2048x1xf32>
    %slice3A_13 = vector.extract_strided_slice %get3A_4 {offsets = [0, 3], sizes = [2048, 1], strides = [1, 1]} : vector<2048x4xf32> to vector<2048x1xf32>
    %min3A_14 = arith.constant 4.13516665 : f32
    %min3A_15 = vector.broadcast %min3A_14 : f32 to vector<2048x1xf32>
    %min3A_16 = arith.minimumf %slice3A_13, %min3A_15 : vector<2048x1xf32>
    %sub3A = arith.subf %slice3A_6, %slice3A : vector<2048x1xf32>
    %sub3A_17 = arith.subf %slice3A_7, %slice3A_5 : vector<2048x1xf32>
    %mul3A = arith.constant 5.000000e-01 : f32
    %mul3A_18 = vector.broadcast %mul3A : f32 to vector<2048x1xf32>
    %mul3A_19 = arith.mulf %mul3A_18, %sub3A : vector<2048x1xf32>
    %add3A = arith.addf %slice3A, %mul3A_19 : vector<2048x1xf32>
    %mul3A_20 = arith.constant 5.000000e-01 : f32
    %mul3A_21 = vector.broadcast %mul3A_20 : f32 to vector<2048x1xf32>
    %mul3A_22 = arith.mulf %mul3A_21, %sub3A_17 : vector<2048x1xf32>
    %add3A_23 = arith.addf %slice3A_5, %mul3A_22 : vector<2048x1xf32>
    %mul3A_24 = arith.mulf %slice3A_8, %sub3A : vector<2048x1xf32>
    %add3A_25 = arith.addf %mul3A_24, %add3A : vector<2048x1xf32>
    %mul3A_26 = arith.mulf %slice3A_9, %sub3A_17 : vector<2048x1xf32>
    %add3A_27 = arith.addf %mul3A_26, %add3A_23 : vector<2048x1xf32>
    %exp3A = math.exp %min3A_12 : vector<2048x1xf32>
    %mul3A_28 = arith.mulf %exp3A, %sub3A : vector<2048x1xf32>
    %exp3A_29 = math.exp %min3A_16 : vector<2048x1xf32>
    %mul3A_30 = arith.mulf %exp3A_29, %sub3A_17 : vector<2048x1xf32>
    %mul3A_31 = arith.constant 5.000000e-01 : f32
    %mul3A_32 = vector.broadcast %mul3A_31 : f32 to vector<2048x1xf32>
    %mul3A_33 = arith.mulf %mul3A_32, %mul3A_28 : vector<2048x1xf32>
    %sub3A_34 = arith.subf %add3A_25, %mul3A_33 : vector<2048x1xf32>
    %jit3A = arith.constant 0.000000e+00 : f32
    %jit3A_35 = arith.constant 1.024000e+03 : f32
    %max3A = vector.broadcast %jit3A : f32 to vector<2048x1xf32>
    %max3A_36 = arith.maximumf %max3A, %sub3A_34 : vector<2048x1xf32>
    %min3A_37 = vector.broadcast %jit3A_35 : f32 to vector<2048x1xf32>
    %min3A_38 = arith.minimumf %min3A_37, %max3A_36 : vector<2048x1xf32>
    %mul3A_39 = arith.constant 5.000000e-01 : f32
    %mul3A_40 = vector.broadcast %mul3A_39 : f32 to vector<2048x1xf32>
    %mul3A_41 = arith.mulf %mul3A_40, %mul3A_30 : vector<2048x1xf32>
    %sub3A_42 = arith.subf %add3A_27, %mul3A_41 : vector<2048x1xf32>
    %jit3A_43 = arith.constant 0.000000e+00 : f32
    %jit3A_44 = arith.constant 1.024000e+03 : f32
    %max3A_45 = vector.broadcast %jit3A_43 : f32 to vector<2048x1xf32>
    %max3A_46 = arith.maximumf %max3A_45, %sub3A_42 : vector<2048x1xf32>
    %min3A_47 = vector.broadcast %jit3A_44 : f32 to vector<2048x1xf32>
    %min3A_48 = arith.minimumf %min3A_47, %max3A_46 : vector<2048x1xf32>
    %mul3A_49 = arith.constant 5.000000e-01 : f32
    %mul3A_50 = vector.broadcast %mul3A_49 : f32 to vector<2048x1xf32>
    %mul3A_51 = arith.mulf %mul3A_50, %mul3A_28 : vector<2048x1xf32>
    %add3A_52 = arith.addf %add3A_25, %mul3A_51 : vector<2048x1xf32>
    %jit3A_53 = arith.constant 0.000000e+00 : f32
    %jit3A_54 = arith.constant 1.024000e+03 : f32
    %max3A_55 = vector.broadcast %jit3A_53 : f32 to vector<2048x1xf32>
    %max3A_56 = arith.maximumf %max3A_55, %add3A_52 : vector<2048x1xf32>
    %min3A_57 = vector.broadcast %jit3A_54 : f32 to vector<2048x1xf32>
    %min3A_58 = arith.minimumf %min3A_57, %max3A_56 : vector<2048x1xf32>
    %mul3A_59 = arith.constant 5.000000e-01 : f32
    %mul3A_60 = vector.broadcast %mul3A_59 : f32 to vector<2048x1xf32>
    %mul3A_61 = arith.mulf %mul3A_60, %mul3A_30 : vector<2048x1xf32>
    %add3A_62 = arith.addf %add3A_27, %mul3A_61 : vector<2048x1xf32>
    %jit3A_63 = arith.constant 0.000000e+00 : f32
    %jit3A_64 = arith.constant 1.024000e+03 : f32
    %max3A_65 = vector.broadcast %jit3A_63 : f32 to vector<2048x1xf32>
    %max3A_66 = arith.maximumf %max3A_65, %add3A_62 : vector<2048x1xf32>
    %min3A_67 = vector.broadcast %jit3A_64 : f32 to vector<2048x1xf32>
    %min3A_68 = arith.minimumf %min3A_67, %max3A_66 : vector<2048x1xf32>
    %swap3A = arith.constant 0 : index
    %swap3A_69 = arith.constant 0 : index
    %swap3A_70 = vector.load %arg5[%swap3A, %swap3A_69] : memref<2048x4xf32, #tpu.memory_space<vmem>>, vector<2048x1xf32>
    tpu.vector_store %arg5[%swap3A, %swap3A_69], %min3A_38 {strides = array<i32>} : memref<2048x4xf32, #tpu.memory_space<vmem>>, vector<2048x1xf32>,
    %swap3A_71 = arith.constant 0 : index
    %swap3A_72 = arith.constant 1 : index
    %swap3A_73 = vector.load %arg5[%swap3A_71, %swap3A_72] : memref<2048x4xf32, #tpu.memory_space<vmem>>, vector<2048x1xf32>
    tpu.vector_store %arg5[%swap3A_71, %swap3A_72], %min3A_48 {strides = array<i32>} : memref<2048x4xf32, #tpu.memory_space<vmem>>, vector<2048x1xf32>,
    %swap3A_74 = arith.constant 0 : index
    %swap3A_75 = arith.constant 2 : index
    %swap3A_76 = vector.load %arg5[%swap3A_74, %swap3A_75] : memref<2048x4xf32, #tpu.memory_space<vmem>>, vector<2048x1xf32>
    tpu.vector_store %arg5[%swap3A_74, %swap3A_75], %min3A_58 {strides = array<i32>} : memref<2048x4xf32, #tpu.memory_space<vmem>>, vector<2048x1xf32>,
    %swap3A_77 = arith.constant 0 : index
    %swap3A_78 = arith.constant 3 : index
    %swap3A_79 = vector.load %arg5[%swap3A_77, %swap3A_78] : memref<2048x4xf32, #tpu.memory_space<vmem>>, vector<2048x1xf32>
    tpu.vector_store %arg5[%swap3A_77, %swap3A_78], %min3A_68 {strides = array<i32>} : memref<2048x4xf32, #tpu.memory_space<vmem>>, vector<2048x1xf32>,
    %get3A_80 = arith.constant 0 : index
    %get3A_81 = arith.constant 0 : index
    %get3A_82 = vector.load %arg2[%get3A_80, %get3A_81] : memref<8x2048xf32, #tpu.memory_space<vmem>>, vector<8x2048xf32>
    %get3A_83 = arith.constant 0 : index
    %get3A_84 = arith.constant 0 : index
    %get3A_85 = vector.load %arg3[%get3A_83, %get3A_84] : memref<8x2048xf32, #tpu.memory_space<vmem>>, vector<8x2048xf32>
    %slice3A_86 = vector.extract_strided_slice %get3A_82 {offsets = [0, 0], sizes = [1, 2048], strides = [1, 1]} : vector<8x2048xf32> to vector<1x2048xf32>
    %slice3A_87 = vector.extract_strided_slice %get3A_82 {offsets = [1, 0], sizes = [1, 2048], strides = [1, 1]} : vector<8x2048xf32> to vector<1x2048xf32>
    %slice3A_88 = vector.extract_strided_slice %get3A_82 {offsets = [2, 0], sizes = [1, 2048], strides = [1, 1]} : vector<8x2048xf32> to vector<1x2048xf32>
    %slice3A_89 = vector.extract_strided_slice %get3A_82 {offsets = [3, 0], sizes = [1, 2048], strides = [1, 1]} : vector<8x2048xf32> to vector<1x2048xf32>
    %slice3A_90 = vector.extract_strided_slice %get3A_85 {offsets = [0, 0], sizes = [1, 2048], strides = [1, 1]} : vector<8x2048xf32> to vector<1x2048xf32>
    %slice3A_91 = vector.extract_strided_slice %get3A_85 {offsets = [1, 0], sizes = [1, 2048], strides = [1, 1]} : vector<8x2048xf32> to vector<1x2048xf32>
    %slice3A_92 = vector.extract_strided_slice %get3A_85 {offsets = [2, 0], sizes = [1, 2048], strides = [1, 1]} : vector<8x2048xf32> to vector<1x2048xf32>
    %min3A_93 = arith.constant 4.13516665 : f32
    %min3A_94 = vector.broadcast %min3A_93 : f32 to vector<1x2048xf32>
    %min3A_95 = arith.minimumf %slice3A_92, %min3A_94 : vector<1x2048xf32>
    %slice3A_96 = vector.extract_strided_slice %get3A_85 {offsets = [3, 0], sizes = [1, 2048], strides = [1, 1]} : vector<8x2048xf32> to vector<1x2048xf32>
    %min3A_97 = arith.constant 4.13516665 : f32
    %min3A_98 = vector.broadcast %min3A_97 : f32 to vector<1x2048xf32>
    %min3A_99 = arith.minimumf %slice3A_96, %min3A_98 : vector<1x2048xf32>
    %sub3A_100 = arith.subf %slice3A_88, %slice3A_86 : vector<1x2048xf32>
    %sub3A_101 = arith.subf %slice3A_89, %slice3A_87 : vector<1x2048xf32>
    %mul3A_102 = arith.constant 5.000000e-01 : f32
    %mul3A_103 = vector.broadcast %mul3A_102 : f32 to vector<1x2048xf32>
    %mul3A_104 = arith.mulf %mul3A_103, %sub3A_100 : vector<1x2048xf32>
    %add3A_105 = arith.addf %slice3A_86, %mul3A_104 : vector<1x2048xf32>
    %mul3A_106 = arith.constant 5.000000e-01 : f32
    %mul3A_107 = vector.broadcast %mul3A_106 : f32 to vector<1x2048xf32>
    %mul3A_108 = arith.mulf %mul3A_107, %sub3A_101 : vector<1x2048xf32>
    %add3A_109 = arith.addf %slice3A_87, %mul3A_108 : vector<1x2048xf32>
    %mul3A_110 = arith.mulf %slice3A_90, %sub3A_100 : vector<1x2048xf32>
    %add3A_111 = arith.addf %mul3A_110, %add3A_105 : vector<1x2048xf32>
    %mul3A_112 = arith.mulf %slice3A_91, %sub3A_101 : vector<1x2048xf32>
    %add3A_113 = arith.addf %mul3A_112, %add3A_109 : vector<1x2048xf32>
    %exp3A_114 = math.exp %min3A_95 : vector<1x2048xf32>
    %mul3A_115 = arith.mulf %exp3A_114, %sub3A_100 : vector<1x2048xf32>
    %exp3A_116 = math.exp %min3A_99 : vector<1x2048xf32>
    %mul3A_117 = arith.mulf %exp3A_116, %sub3A_101 : vector<1x2048xf32>
    %mul3A_118 = arith.constant 5.000000e-01 : f32
    %mul3A_119 = vector.broadcast %mul3A_118 : f32 to vector<1x2048xf32>
    %mul3A_120 = arith.mulf %mul3A_119, %mul3A_115 : vector<1x2048xf32>
    %sub3A_121 = arith.subf %add3A_111, %mul3A_120 : vector<1x2048xf32>
    %jit3A_122 = arith.constant 0.000000e+00 : f32
    %jit3A_123 = arith.constant 1.024000e+03 : f32
    %max3A_124 = vector.broadcast %jit3A_122 : f32 to vector<1x2048xf32>
    %max3A_125 = arith.maximumf %max3A_124, %sub3A_121 : vector<1x2048xf32>
    %min3A_126 = vector.broadcast %jit3A_123 : f32 to vector<1x2048xf32>
    %min3A_127 = arith.minimumf %min3A_126, %max3A_125 : vector<1x2048xf32>
    %mul3A_128 = arith.constant 5.000000e-01 : f32
    %mul3A_129 = vector.broadcast %mul3A_128 : f32 to vector<1x2048xf32>
    %mul3A_130 = arith.mulf %mul3A_129, %mul3A_117 : vector<1x2048xf32>
    %sub3A_131 = arith.subf %add3A_113, %mul3A_130 : vector<1x2048xf32>
    %jit3A_132 = arith.constant 0.000000e+00 : f32
    %jit3A_133 = arith.constant 1.024000e+03 : f32
    %max3A_134 = vector.broadcast %jit3A_132 : f32 to vector<1x2048xf32>
    %max3A_135 = arith.maximumf %max3A_134, %sub3A_131 : vector<1x2048xf32>
    %min3A_136 = vector.broadcast %jit3A_133 : f32 to vector<1x2048xf32>
    %min3A_137 = arith.minimumf %min3A_136, %max3A_135 : vector<1x2048xf32>
    %mul3A_138 = arith.constant 5.000000e-01 : f32
    %mul3A_139 = vector.broadcast %mul3A_138 : f32 to vector<1x2048xf32>
    %mul3A_140 = arith.mulf %mul3A_139, %mul3A_115 : vector<1x2048xf32>
    %add3A_141 = arith.addf %add3A_111, %mul3A_140 : vector<1x2048xf32>
    %jit3A_142 = arith.constant 0.000000e+00 : f32
    %jit3A_143 = arith.constant 1.024000e+03 : f32
    %max3A_144 = vector.broadcast %jit3A_142 : f32 to vector<1x2048xf32>
    %max3A_145 = arith.maximumf %max3A_144, %add3A_141 : vector<1x2048xf32>
    %min3A_146 = vector.broadcast %jit3A_143 : f32 to vector<1x2048xf32>
    %min3A_147 = arith.minimumf %min3A_146, %max3A_145 : vector<1x2048xf32>
    %mul3A_148 = arith.constant 5.000000e-01 : f32
    %mul3A_149 = vector.broadcast %mul3A_148 : f32 to vector<1x2048xf32>
    %mul3A_150 = arith.mulf %mul3A_149, %mul3A_117 : vector<1x2048xf32>
    %add3A_151 = arith.addf %add3A_113, %mul3A_150 : vector<1x2048xf32>
    %jit3A_152 = arith.constant 0.000000e+00 : f32
    %jit3A_153 = arith.constant 1.024000e+03 : f32
    %max3A_154 = vector.broadcast %jit3A_152 : f32 to vector<1x2048xf32>
    %max3A_155 = arith.maximumf %max3A_154, %add3A_151 : vector<1x2048xf32>
    %min3A_156 = vector.broadcast %jit3A_153 : f32 to vector<1x2048xf32>
    %min3A_157 = arith.minimumf %min3A_156, %max3A_155 : vector<1x2048xf32>
    %sub3A_158 = arith.subf %min3A_147, %min3A_127 : vector<1x2048xf32>
    %sub3A_159 = arith.subf %min3A_157, %min3A_137 : vector<1x2048xf32>
    %mul3A_160 = arith.mulf %sub3A_158, %sub3A_159 : vector<1x2048xf32>
    %sub3A_161 = arith.subf %min3A_147, %min3A_127 : vector<1x2048xf32>
    %gt3A = arith.constant 0.000000e+00 : f32
    %gt3A_162 = vector.broadcast %gt3A : f32 to vector<1x2048xf32>
    %gt3A_163 = arith.cmpf ogt, %sub3A_161, %gt3A_162 : vector<1x2048xf32>
    %sub3A_164 = arith.subf %min3A_157, %min3A_137 : vector<1x2048xf32>
    %gt3A_165 = arith.constant 0.000000e+00 : f32
    %gt3A_166 = vector.broadcast %gt3A_165 : f32 to vector<1x2048xf32>
    %gt3A_167 = arith.cmpf ogt, %sub3A_164, %gt3A_166 : vector<1x2048xf32>
    %and3A = arith.andi %gt3A_163, %gt3A_167 : vector<1x2048xi1>
    %iota3A = tpu.iota {dimensions = array<i32: 1>} : vector<1x2048xi32>
    %slice3A_168 = vector.extract_strided_slice %min3A_38 {offsets = [0, 0], sizes = [256, 1], strides = [1, 1]} : vector<2048x1xf32> to vector<256x1xf32>
    %slice3A_169 = vector.extract_strided_slice %min3A_48 {offsets = [0, 0], sizes = [256, 1], strides = [1, 1]} : vector<2048x1xf32> to vector<256x1xf32>
    %slice3A_170 = vector.extract_strided_slice %min3A_58 {offsets = [0, 0], sizes = [256, 1], strides = [1, 1]} : vector<2048x1xf32> to vector<256x1xf32>
    %slice3A_171 = vector.extract_strided_slice %min3A_68 {offsets = [0, 0], sizes = [256, 1], strides = [1, 1]} : vector<2048x1xf32> to vector<256x1xf32>
    %sub3A_172 = arith.subf %slice3A_170, %slice3A_168 : vector<256x1xf32>
    %sub3A_173 = arith.subf %slice3A_171, %slice3A_169 : vector<256x1xf32>
    %mul3A_174 = arith.mulf %sub3A_172, %sub3A_173 : vector<256x1xf32>
    %min3A_175 = vector.broadcast %slice3A_170 : vector<256x1xf32> to vector<256x2048xf32>
    %min3A_176 = vector.broadcast %min3A_147 : vector<1x2048xf32> to vector<256x2048xf32>
    %min3A_177 = arith.minimumf %min3A_175, %min3A_176 : vector<256x2048xf32>
    %max3A_178 = vector.broadcast %slice3A_168 : vector<256x1xf32> to vector<256x2048xf32>
    %max3A_179 = vector.broadcast %min3A_127 : vector<1x2048xf32> to vector<256x2048xf32>
    %max3A_180 = arith.maximumf %max3A_178, %max3A_179 : vector<256x2048xf32>
    %sub3A_181 = arith.subf %min3A_177, %max3A_180 : vector<256x2048xf32>
    %min3A_182 = vector.broadcast %slice3A_171 : vector<256x1xf32> to vector<256x2048xf32>
    %min3A_183 = vector.broadcast %min3A_157 : vector<1x2048xf32> to vector<256x2048xf32>
    %min3A_184 = arith.minimumf %min3A_182, %min3A_183 : vector<256x2048xf32>
    %max3A_185 = vector.broadcast %slice3A_169 : vector<256x1xf32> to vector<256x2048xf32>
    %max3A_186 = vector.broadcast %min3A_137 : vector<1x2048xf32> to vector<256x2048xf32>
    %max3A_187 = arith.maximumf %max3A_185, %max3A_186 : vector<256x2048xf32>
    %sub3A_188 = arith.subf %min3A_184, %max3A_187 : vector<256x2048xf32>
    %max3A_189 = arith.constant 0.000000e+00 : f32
    %max3A_190 = vector.broadcast %max3A_189 : f32 to vector<256x2048xf32>
    %max3A_191 = arith.maximumf %sub3A_181, %max3A_190 : vector<256x2048xf32>
    %max3A_192 = arith.constant 0.000000e+00 : f32
    %max3A_193 = vector.broadcast %max3A_192 : f32 to vector<256x2048xf32>
    %max3A_194 = arith.maximumf %sub3A_188, %max3A_193 : vector<256x2048xf32>
    %mul3A_195 = arith.mulf %max3A_191, %max3A_194 : vector<256x2048xf32>
    %add3A_196 = vector.broadcast %mul3A_174 : vector<256x1xf32> to vector<256x2048xf32>
    %add3A_197 = vector.broadcast %mul3A_160 : vector<1x2048xf32> to vector<256x2048xf32>
    %add3A_198 = arith.addf %add3A_196, %add3A_197 : vector<256x2048xf32>
    %sub3A_199 = arith.subf %add3A_198, %mul3A_195 : vector<256x2048xf32>
    %max3A_200 = arith.constant 9.99999997E-7 : f32
    %max3A_201 = vector.broadcast %max3A_200 : f32 to vector<256x2048xf32>
    %max3A_202 = arith.maximumf %sub3A_199, %max3A_201 : vector<256x2048xf32>
    %div3A = arith.divf %mul3A_195, %max3A_202 : vector<256x2048xf32>
    %iota3A_203 = tpu.iota {dimensions = array<i32: 0>} : vector<256x1xi32>
    %add3A_204 = arith.constant 0 : i32
    %add3A_205 = vector.broadcast %add3A_204 : i32 to vector<256x1xi32>
    %add3A_206 = arith.addi %iota3A_203, %add3A_205 : vector<256x1xi32>
    %gt3A_207 = arith.constant 0.699999988 : f32
    %gt3A_208 = vector.broadcast %gt3A_207 : f32 to vector<256x2048xf32>
    %gt3A_209 = arith.cmpf ogt, %div3A, %gt3A_208 : vector<256x2048xf32>
    %lt3A = vector.broadcast %add3A_206 : vector<256x1xi32> to vector<256x2048xi32>
    %lt3A_210 = vector.broadcast %iota3A : vector<1x2048xi32> to vector<256x2048xi32>
    %lt3A_211 = arith.cmpi slt, %lt3A, %lt3A_210 : vector<256x2048xi32>
    %and3A_212 = arith.andi %gt3A_209, %lt3A_211 : vector<256x2048xi1>
    %jit3A_213 = arith.constant 1.000000e+00 : f32
    %jit3A_214 = arith.constant 0.000000e+00 : f32
    %broadcast_in_dim3A = vector.broadcast %jit3A_213 : f32 to vector<256x2048xf32>
    %broadcast_in_dim3A_215 = vector.broadcast %jit3A_214 : f32 to vector<256x2048xf32>
    %select_n3A = arith.select %and3A_212, %broadcast_in_dim3A, %broadcast_in_dim3A_215 : vector<256x2048xi1>, vector<256x2048xf32>
    %swap3A_216 = arith.constant 0 : index
    %swap3A_217 = arith.constant 0 : index
    %swap3A_218 = vector.load %arg7[%swap3A_216, %swap3A_217] : memref<2048x2048xf32, #tpu.memory_space<vmem>>, vector<256x2048xf32>
    tpu.vector_store %arg7[%swap3A_216, %swap3A_217], %select_n3A {strides = array<i32>} : memref<2048x2048xf32, #tpu.memory_space<vmem>>, vector<256x2048xf32>,
    %slice3A_219 = vector.extract_strided_slice %min3A_38 {offsets = [256, 0], sizes = [256, 1], strides = [1, 1]} : vector<2048x1xf32> to vector<256x1xf32>
    %slice3A_220 = vector.extract_strided_slice %min3A_48 {offsets = [256, 0], sizes = [256, 1], strides = [1, 1]} : vector<2048x1xf32> to vector<256x1xf32>
    %slice3A_221 = vector.extract_strided_slice %min3A_58 {offsets = [256, 0], sizes = [256, 1], strides = [1, 1]} : vector<2048x1xf32> to vector<256x1xf32>
    %slice3A_222 = vector.extract_strided_slice %min3A_68 {offsets = [256, 0], sizes = [256, 1], strides = [1, 1]} : vector<2048x1xf32> to vector<256x1xf32>
    %sub3A_223 = arith.subf %slice3A_221, %slice3A_219 : vector<256x1xf32>
    %sub3A_224 = arith.subf %slice3A_222, %slice3A_220 : vector<256x1xf32>
    %mul3A_225 = arith.mulf %sub3A_223, %sub3A_224 : vector<256x1xf32>
    %min3A_226 = vector.broadcast %slice3A_221 : vector<256x1xf32> to vector<256x2048xf32>
    %min3A_227 = vector.broadcast %min3A_147 : vector<1x2048xf32> to vector<256x2048xf32>
    %min3A_228 = arith.minimumf %min3A_226, %min3A_227 : vector<256x2048xf32>
    %max3A_229 = vector.broadcast %slice3A_219 : vector<256x1xf32> to vector<256x2048xf32>
    %max3A_230 = vector.broadcast %min3A_127 : vector<1x2048xf32> to vector<256x2048xf32>
    %max3A_231 = arith.maximumf %max3A_229, %max3A_230 : vector<256x2048xf32>
    %sub3A_232 = arith.subf %min3A_228, %max3A_231 : vector<256x2048xf32>
    %min3A_233 = vector.broadcast %slice3A_222 : vector<256x1xf32> to vector<256x2048xf32>
    %min3A_234 = vector.broadcast %min3A_157 : vector<1x2048xf32> to vector<256x2048xf32>
    %min3A_235 = arith.minimumf %min3A_233, %min3A_234 : vector<256x2048xf32>
    %max3A_236 = vector.broadcast %slice3A_220 : vector<256x1xf32> to vector<256x2048xf32>
    %max3A_237 = vector.broadcast %min3A_137 : vector<1x2048xf32> to vector<256x2048xf32>
    %max3A_238 = arith.maximumf %max3A_236, %max3A_237 : vector<256x2048xf32>
    %sub3A_239 = arith.subf %min3A_235, %max3A_238 : vector<256x2048xf32>
    %max3A_240 = arith.constant 0.000000e+00 : f32
    %max3A_241 = vector.broadcast %max3A_240 : f32 to vector<256x2048xf32>
    %max3A_242 = arith.maximumf %sub3A_232, %max3A_241 : vector<256x2048xf32>
    %max3A_243 = arith.constant 0.000000e+00 : f32
    %max3A_244 = vector.broadcast %max3A_243 : f32 to vector<256x2048xf32>
    %max3A_245 = arith.maximumf %sub3A_239, %max3A_244 : vector<256x2048xf32>
    %mul3A_246 = arith.mulf %max3A_242, %max3A_245 : vector<256x2048xf32>
    %add3A_247 = vector.broadcast %mul3A_225 : vector<256x1xf32> to vector<256x2048xf32>
    %add3A_248 = vector.broadcast %mul3A_160 : vector<1x2048xf32> to vector<256x2048xf32>
    %add3A_249 = arith.addf %add3A_247, %add3A_248 : vector<256x2048xf32>
    %sub3A_250 = arith.subf %add3A_249, %mul3A_246 : vector<256x2048xf32>
    %max3A_251 = arith.constant 9.99999997E-7 : f32
    %max3A_252 = vector.broadcast %max3A_251 : f32 to vector<256x2048xf32>
    %max3A_253 = arith.maximumf %sub3A_250, %max3A_252 : vector<256x2048xf32>
    %div3A_254 = arith.divf %mul3A_246, %max3A_253 : vector<256x2048xf32>
    %iota3A_255 = tpu.iota {dimensions = array<i32: 0>} : vector<256x1xi32>
    %add3A_256 = arith.constant 256 : i32
    %add3A_257 = vector.broadcast %add3A_256 : i32 to vector<256x1xi32>
    %add3A_258 = arith.addi %iota3A_255, %add3A_257 : vector<256x1xi32>
    %gt3A_259 = arith.constant 0.699999988 : f32
    %gt3A_260 = vector.broadcast %gt3A_259 : f32 to vector<256x2048xf32>
    %gt3A_261 = arith.cmpf ogt, %div3A_254, %gt3A_260 : vector<256x2048xf32>
    %lt3A_262 = vector.broadcast %add3A_258 : vector<256x1xi32> to vector<256x2048xi32>
    %lt3A_263 = vector.broadcast %iota3A : vector<1x2048xi32> to vector<256x2048xi32>
    %lt3A_264 = arith.cmpi slt, %lt3A_262, %lt3A_263 : vector<256x2048xi32>
    %and3A_265 = arith.andi %gt3A_261, %lt3A_264 : vector<256x2048xi1>
    %jit3A_266 = arith.constant 1.000000e+00 : f32
    %jit3A_267 = arith.constant 0.000000e+00 : f32
    %broadcast_in_dim3A_268 = vector.broadcast %jit3A_266 : f32 to vector<256x2048xf32>
    %broadcast_in_dim3A_269 = vector.broadcast %jit3A_267 : f32 to vector<256x2048xf32>
    %select_n3A_270 = arith.select %and3A_265, %broadcast_in_dim3A_268, %broadcast_in_dim3A_269 : vector<256x2048xi1>, vector<256x2048xf32>
    %swap3A_271 = arith.constant 256 : index
    %swap3A_272 = arith.constant 0 : index
    %swap3A_273 = vector.load %arg7[%swap3A_271, %swap3A_272] : memref<2048x2048xf32, #tpu.memory_space<vmem>>, vector<256x2048xf32>
    tpu.vector_store %arg7[%swap3A_271, %swap3A_272], %select_n3A_270 {strides = array<i32>} : memref<2048x2048xf32, #tpu.memory_space<vmem>>, vector<256x2048xf32>,
    %slice3A_274 = vector.extract_strided_slice %min3A_38 {offsets = [512, 0], sizes = [256, 1], strides = [1, 1]} : vector<2048x1xf32> to vector<256x1xf32>
    %slice3A_275 = vector.extract_strided_slice %min3A_48 {offsets = [512, 0], sizes = [256, 1], strides = [1, 1]} : vector<2048x1xf32> to vector<256x1xf32>
    %slice3A_276 = vector.extract_strided_slice %min3A_58 {offsets = [512, 0], sizes = [256, 1], strides = [1, 1]} : vector<2048x1xf32> to vector<256x1xf32>
    %slice3A_277 = vector.extract_strided_slice %min3A_68 {offsets = [512, 0], sizes = [256, 1], strides = [1, 1]} : vector<2048x1xf32> to vector<256x1xf32>
    %sub3A_278 = arith.subf %slice3A_276, %slice3A_274 : vector<256x1xf32>
    %sub3A_279 = arith.subf %slice3A_277, %slice3A_275 : vector<256x1xf32>
    %mul3A_280 = arith.mulf %sub3A_278, %sub3A_279 : vector<256x1xf32>
    %min3A_281 = vector.broadcast %slice3A_276 : vector<256x1xf32> to vector<256x2048xf32>
    %min3A_282 = vector.broadcast %min3A_147 : vector<1x2048xf32> to vector<256x2048xf32>
    %min3A_283 = arith.minimumf %min3A_281, %min3A_282 : vector<256x2048xf32>
    %max3A_284 = vector.broadcast %slice3A_274 : vector<256x1xf32> to vector<256x2048xf32>
    %max3A_285 = vector.broadcast %min3A_127 : vector<1x2048xf32> to vector<256x2048xf32>
    %max3A_286 = arith.maximumf %max3A_284, %max3A_285 : vector<256x2048xf32>
    %sub3A_287 = arith.subf %min3A_283, %max3A_286 : vector<256x2048xf32>
    %min3A_288 = vector.broadcast %slice3A_277 : vector<256x1xf32> to vector<256x2048xf32>
    %min3A_289 = vector.broadcast %min3A_157 : vector<1x2048xf32> to vector<256x2048xf32>
    %min3A_290 = arith.minimumf %min3A_288, %min3A_289 : vector<256x2048xf32>
    %max3A_291 = vector.broadcast %slice3A_275 : vector<256x1xf32> to vector<256x2048xf32>
    %max3A_292 = vector.broadcast %min3A_137 : vector<1x2048xf32> to vector<256x2048xf32>
    %max3A_293 = arith.maximumf %max3A_291, %max3A_292 : vector<256x2048xf32>
    %sub3A_294 = arith.subf %min3A_290, %max3A_293 : vector<256x2048xf32>
    %max3A_295 = arith.constant 0.000000e+00 : f32
    %max3A_296 = vector.broadcast %max3A_295 : f32 to vector<256x2048xf32>
    %max3A_297 = arith.maximumf %sub3A_287, %max3A_296 : vector<256x2048xf32>
    %max3A_298 = arith.constant 0.000000e+00 : f32
    %max3A_299 = vector.broadcast %max3A_298 : f32 to vector<256x2048xf32>
    %max3A_300 = arith.maximumf %sub3A_294, %max3A_299 : vector<256x2048xf32>
    %mul3A_301 = arith.mulf %max3A_297, %max3A_300 : vector<256x2048xf32>
    %add3A_302 = vector.broadcast %mul3A_280 : vector<256x1xf32> to vector<256x2048xf32>
    %add3A_303 = vector.broadcast %mul3A_160 : vector<1x2048xf32> to vector<256x2048xf32>
    %add3A_304 = arith.addf %add3A_302, %add3A_303 : vector<256x2048xf32>
    %sub3A_305 = arith.subf %add3A_304, %mul3A_301 : vector<256x2048xf32>
    %max3A_306 = arith.constant 9.99999997E-7 : f32
    %max3A_307 = vector.broadcast %max3A_306 : f32 to vector<256x2048xf32>
    %max3A_308 = arith.maximumf %sub3A_305, %max3A_307 : vector<256x2048xf32>
    %div3A_309 = arith.divf %mul3A_301, %max3A_308 : vector<256x2048xf32>
    %iota3A_310 = tpu.iota {dimensions = array<i32: 0>} : vector<256x1xi32>
    %add3A_311 = arith.constant 512 : i32
    %add3A_312 = vector.broadcast %add3A_311 : i32 to vector<256x1xi32>
    %add3A_313 = arith.addi %iota3A_310, %add3A_312 : vector<256x1xi32>
    %gt3A_314 = arith.constant 0.699999988 : f32
    %gt3A_315 = vector.broadcast %gt3A_314 : f32 to vector<256x2048xf32>
    %gt3A_316 = arith.cmpf ogt, %div3A_309, %gt3A_315 : vector<256x2048xf32>
    %lt3A_317 = vector.broadcast %add3A_313 : vector<256x1xi32> to vector<256x2048xi32>
    %lt3A_318 = vector.broadcast %iota3A : vector<1x2048xi32> to vector<256x2048xi32>
    %lt3A_319 = arith.cmpi slt, %lt3A_317, %lt3A_318 : vector<256x2048xi32>
    %and3A_320 = arith.andi %gt3A_316, %lt3A_319 : vector<256x2048xi1>
    %jit3A_321 = arith.constant 1.000000e+00 : f32
    %jit3A_322 = arith.constant 0.000000e+00 : f32
    %broadcast_in_dim3A_323 = vector.broadcast %jit3A_321 : f32 to vector<256x2048xf32>
    %broadcast_in_dim3A_324 = vector.broadcast %jit3A_322 : f32 to vector<256x2048xf32>
    %select_n3A_325 = arith.select %and3A_320, %broadcast_in_dim3A_323, %broadcast_in_dim3A_324 : vector<256x2048xi1>, vector<256x2048xf32>
    %swap3A_326 = arith.constant 512 : index
    %swap3A_327 = arith.constant 0 : index
    %swap3A_328 = vector.load %arg7[%swap3A_326, %swap3A_327] : memref<2048x2048xf32, #tpu.memory_space<vmem>>, vector<256x2048xf32>
    tpu.vector_store %arg7[%swap3A_326, %swap3A_327], %select_n3A_325 {strides = array<i32>} : memref<2048x2048xf32, #tpu.memory_space<vmem>>, vector<256x2048xf32>,
    %slice3A_329 = vector.extract_strided_slice %min3A_38 {offsets = [768, 0], sizes = [256, 1], strides = [1, 1]} : vector<2048x1xf32> to vector<256x1xf32>
    %slice3A_330 = vector.extract_strided_slice %min3A_48 {offsets = [768, 0], sizes = [256, 1], strides = [1, 1]} : vector<2048x1xf32> to vector<256x1xf32>
    %slice3A_331 = vector.extract_strided_slice %min3A_58 {offsets = [768, 0], sizes = [256, 1], strides = [1, 1]} : vector<2048x1xf32> to vector<256x1xf32>
    %slice3A_332 = vector.extract_strided_slice %min3A_68 {offsets = [768, 0], sizes = [256, 1], strides = [1, 1]} : vector<2048x1xf32> to vector<256x1xf32>
    %sub3A_333 = arith.subf %slice3A_331, %slice3A_329 : vector<256x1xf32>
    %sub3A_334 = arith.subf %slice3A_332, %slice3A_330 : vector<256x1xf32>
    %mul3A_335 = arith.mulf %sub3A_333, %sub3A_334 : vector<256x1xf32>
    %min3A_336 = vector.broadcast %slice3A_331 : vector<256x1xf32> to vector<256x2048xf32>
    %min3A_337 = vector.broadcast %min3A_147 : vector<1x2048xf32> to vector<256x2048xf32>
    %min3A_338 = arith.minimumf %min3A_336, %min3A_337 : vector<256x2048xf32>
    %max3A_339 = vector.broadcast %slice3A_329 : vector<256x1xf32> to vector<256x2048xf32>
    %max3A_340 = vector.broadcast %min3A_127 : vector<1x2048xf32> to vector<256x2048xf32>
    %max3A_341 = arith.maximumf %max3A_339, %max3A_340 : vector<256x2048xf32>
    %sub3A_342 = arith.subf %min3A_338, %max3A_341 : vector<256x2048xf32>
    %min3A_343 = vector.broadcast %slice3A_332 : vector<256x1xf32> to vector<256x2048xf32>
    %min3A_344 = vector.broadcast %min3A_157 : vector<1x2048xf32> to vector<256x2048xf32>
    %min3A_345 = arith.minimumf %min3A_343, %min3A_344 : vector<256x2048xf32>
    %max3A_346 = vector.broadcast %slice3A_330 : vector<256x1xf32> to vector<256x2048xf32>
    %max3A_347 = vector.broadcast %min3A_137 : vector<1x2048xf32> to vector<256x2048xf32>
    %max3A_348 = arith.maximumf %max3A_346, %max3A_347 : vector<256x2048xf32>
    %sub3A_349 = arith.subf %min3A_345, %max3A_348 : vector<256x2048xf32>
    %max3A_350 = arith.constant 0.000000e+00 : f32
    %max3A_351 = vector.broadcast %max3A_350 : f32 to vector<256x2048xf32>
    %max3A_352 = arith.maximumf %sub3A_342, %max3A_351 : vector<256x2048xf32>
    %max3A_353 = arith.constant 0.000000e+00 : f32
    %max3A_354 = vector.broadcast %max3A_353 : f32 to vector<256x2048xf32>
    %max3A_355 = arith.maximumf %sub3A_349, %max3A_354 : vector<256x2048xf32>
    %mul3A_356 = arith.mulf %max3A_352, %max3A_355 : vector<256x2048xf32>
    %add3A_357 = vector.broadcast %mul3A_335 : vector<256x1xf32> to vector<256x2048xf32>
    %add3A_358 = vector.broadcast %mul3A_160 : vector<1x2048xf32> to vector<256x2048xf32>
    %add3A_359 = arith.addf %add3A_357, %add3A_358 : vector<256x2048xf32>
    %sub3A_360 = arith.subf %add3A_359, %mul3A_356 : vector<256x2048xf32>
    %max3A_361 = arith.constant 9.99999997E-7 : f32
    %max3A_362 = vector.broadcast %max3A_361 : f32 to vector<256x2048xf32>
    %max3A_363 = arith.maximumf %sub3A_360, %max3A_362 : vector<256x2048xf32>
    %div3A_364 = arith.divf %mul3A_356, %max3A_363 : vector<256x2048xf32>
    %iota3A_365 = tpu.iota {dimensions = array<i32: 0>} : vector<256x1xi32>
    %add3A_366 = arith.constant 768 : i32
    %add3A_367 = vector.broadcast %add3A_366 : i32 to vector<256x1xi32>
    %add3A_368 = arith.addi %iota3A_365, %add3A_367 : vector<256x1xi32>
    %gt3A_369 = arith.constant 0.699999988 : f32
    %gt3A_370 = vector.broadcast %gt3A_369 : f32 to vector<256x2048xf32>
    %gt3A_371 = arith.cmpf ogt, %div3A_364, %gt3A_370 : vector<256x2048xf32>
    %lt3A_372 = vector.broadcast %add3A_368 : vector<256x1xi32> to vector<256x2048xi32>
    %lt3A_373 = vector.broadcast %iota3A : vector<1x2048xi32> to vector<256x2048xi32>
    %lt3A_374 = arith.cmpi slt, %lt3A_372, %lt3A_373 : vector<256x2048xi32>
    %and3A_375 = arith.andi %gt3A_371, %lt3A_374 : vector<256x2048xi1>
    %jit3A_376 = arith.constant 1.000000e+00 : f32
    %jit3A_377 = arith.constant 0.000000e+00 : f32
    %broadcast_in_dim3A_378 = vector.broadcast %jit3A_376 : f32 to vector<256x2048xf32>
    %broadcast_in_dim3A_379 = vector.broadcast %jit3A_377 : f32 to vector<256x2048xf32>
    %select_n3A_380 = arith.select %and3A_375, %broadcast_in_dim3A_378, %broadcast_in_dim3A_379 : vector<256x2048xi1>, vector<256x2048xf32>
    %swap3A_381 = arith.constant 768 : index
    %swap3A_382 = arith.constant 0 : index
    %swap3A_383 = vector.load %arg7[%swap3A_381, %swap3A_382] : memref<2048x2048xf32, #tpu.memory_space<vmem>>, vector<256x2048xf32>
    tpu.vector_store %arg7[%swap3A_381, %swap3A_382], %select_n3A_380 {strides = array<i32>} : memref<2048x2048xf32, #tpu.memory_space<vmem>>, vector<256x2048xf32>,
    %slice3A_384 = vector.extract_strided_slice %min3A_38 {offsets = [1024, 0], sizes = [256, 1], strides = [1, 1]} : vector<2048x1xf32> to vector<256x1xf32>
    %slice3A_385 = vector.extract_strided_slice %min3A_48 {offsets = [1024, 0], sizes = [256, 1], strides = [1, 1]} : vector<2048x1xf32> to vector<256x1xf32>
    %slice3A_386 = vector.extract_strided_slice %min3A_58 {offsets = [1024, 0], sizes = [256, 1], strides = [1, 1]} : vector<2048x1xf32> to vector<256x1xf32>
    %slice3A_387 = vector.extract_strided_slice %min3A_68 {offsets = [1024, 0], sizes = [256, 1], strides = [1, 1]} : vector<2048x1xf32> to vector<256x1xf32>
    %sub3A_388 = arith.subf %slice3A_386, %slice3A_384 : vector<256x1xf32>
    %sub3A_389 = arith.subf %slice3A_387, %slice3A_385 : vector<256x1xf32>
    %mul3A_390 = arith.mulf %sub3A_388, %sub3A_389 : vector<256x1xf32>
    %min3A_391 = vector.broadcast %slice3A_386 : vector<256x1xf32> to vector<256x2048xf32>
    %min3A_392 = vector.broadcast %min3A_147 : vector<1x2048xf32> to vector<256x2048xf32>
    %min3A_393 = arith.minimumf %min3A_391, %min3A_392 : vector<256x2048xf32>
    %max3A_394 = vector.broadcast %slice3A_384 : vector<256x1xf32> to vector<256x2048xf32>
    %max3A_395 = vector.broadcast %min3A_127 : vector<1x2048xf32> to vector<256x2048xf32>
    %max3A_396 = arith.maximumf %max3A_394, %max3A_395 : vector<256x2048xf32>
    %sub3A_397 = arith.subf %min3A_393, %max3A_396 : vector<256x2048xf32>
    %min3A_398 = vector.broadcast %slice3A_387 : vector<256x1xf32> to vector<256x2048xf32>
    %min3A_399 = vector.broadcast %min3A_157 : vector<1x2048xf32> to vector<256x2048xf32>
    %min3A_400 = arith.minimumf %min3A_398, %min3A_399 : vector<256x2048xf32>
    %max3A_401 = vector.broadcast %slice3A_385 : vector<256x1xf32> to vector<256x2048xf32>
    %max3A_402 = vector.broadcast %min3A_137 : vector<1x2048xf32> to vector<256x2048xf32>
    %max3A_403 = arith.maximumf %max3A_401, %max3A_402 : vector<256x2048xf32>
    %sub3A_404 = arith.subf %min3A_400, %max3A_403 : vector<256x2048xf32>
    %max3A_405 = arith.constant 0.000000e+00 : f32
    %max3A_406 = vector.broadcast %max3A_405 : f32 to vector<256x2048xf32>
    %max3A_407 = arith.maximumf %sub3A_397, %max3A_406 : vector<256x2048xf32>
    %max3A_408 = arith.constant 0.000000e+00 : f32
    %max3A_409 = vector.broadcast %max3A_408 : f32 to vector<256x2048xf32>
    %max3A_410 = arith.maximumf %sub3A_404, %max3A_409 : vector<256x2048xf32>
    %mul3A_411 = arith.mulf %max3A_407, %max3A_410 : vector<256x2048xf32>
    %add3A_412 = vector.broadcast %mul3A_390 : vector<256x1xf32> to vector<256x2048xf32>
    %add3A_413 = vector.broadcast %mul3A_160 : vector<1x2048xf32> to vector<256x2048xf32>
    %add3A_414 = arith.addf %add3A_412, %add3A_413 : vector<256x2048xf32>
    %sub3A_415 = arith.subf %add3A_414, %mul3A_411 : vector<256x2048xf32>
    %max3A_416 = arith.constant 9.99999997E-7 : f32
    %max3A_417 = vector.broadcast %max3A_416 : f32 to vector<256x2048xf32>
    %max3A_418 = arith.maximumf %sub3A_415, %max3A_417 : vector<256x2048xf32>
    %div3A_419 = arith.divf %mul3A_411, %max3A_418 : vector<256x2048xf32>
    %iota3A_420 = tpu.iota {dimensions = array<i32: 0>} : vector<256x1xi32>
    %add3A_421 = arith.constant 1024 : i32
    %add3A_422 = vector.broadcast %add3A_421 : i32 to vector<256x1xi32>
    %add3A_423 = arith.addi %iota3A_420, %add3A_422 : vector<256x1xi32>
    %gt3A_424 = arith.constant 0.699999988 : f32
    %gt3A_425 = vector.broadcast %gt3A_424 : f32 to vector<256x2048xf32>
    %gt3A_426 = arith.cmpf ogt, %div3A_419, %gt3A_425 : vector<256x2048xf32>
    %lt3A_427 = vector.broadcast %add3A_423 : vector<256x1xi32> to vector<256x2048xi32>
    %lt3A_428 = vector.broadcast %iota3A : vector<1x2048xi32> to vector<256x2048xi32>
    %lt3A_429 = arith.cmpi slt, %lt3A_427, %lt3A_428 : vector<256x2048xi32>
    %and3A_430 = arith.andi %gt3A_426, %lt3A_429 : vector<256x2048xi1>
    %jit3A_431 = arith.constant 1.000000e+00 : f32
    %jit3A_432 = arith.constant 0.000000e+00 : f32
    %broadcast_in_dim3A_433 = vector.broadcast %jit3A_431 : f32 to vector<256x2048xf32>
    %broadcast_in_dim3A_434 = vector.broadcast %jit3A_432 : f32 to vector<256x2048xf32>
    %select_n3A_435 = arith.select %and3A_430, %broadcast_in_dim3A_433, %broadcast_in_dim3A_434 : vector<256x2048xi1>, vector<256x2048xf32>
    %swap3A_436 = arith.constant 1024 : index
    %swap3A_437 = arith.constant 0 : index
    %swap3A_438 = vector.load %arg7[%swap3A_436, %swap3A_437] : memref<2048x2048xf32, #tpu.memory_space<vmem>>, vector<256x2048xf32>
    tpu.vector_store %arg7[%swap3A_436, %swap3A_437], %select_n3A_435 {strides = array<i32>} : memref<2048x2048xf32, #tpu.memory_space<vmem>>, vector<256x2048xf32>,
    %slice3A_439 = vector.extract_strided_slice %min3A_38 {offsets = [1280, 0], sizes = [256, 1], strides = [1, 1]} : vector<2048x1xf32> to vector<256x1xf32>
    %slice3A_440 = vector.extract_strided_slice %min3A_48 {offsets = [1280, 0], sizes = [256, 1], strides = [1, 1]} : vector<2048x1xf32> to vector<256x1xf32>
    %slice3A_441 = vector.extract_strided_slice %min3A_58 {offsets = [1280, 0], sizes = [256, 1], strides = [1, 1]} : vector<2048x1xf32> to vector<256x1xf32>
    %slice3A_442 = vector.extract_strided_slice %min3A_68 {offsets = [1280, 0], sizes = [256, 1], strides = [1, 1]} : vector<2048x1xf32> to vector<256x1xf32>
    %sub3A_443 = arith.subf %slice3A_441, %slice3A_439 : vector<256x1xf32>
    %sub3A_444 = arith.subf %slice3A_442, %slice3A_440 : vector<256x1xf32>
    %mul3A_445 = arith.mulf %sub3A_443, %sub3A_444 : vector<256x1xf32>
    %min3A_446 = vector.broadcast %slice3A_441 : vector<256x1xf32> to vector<256x2048xf32>
    %min3A_447 = vector.broadcast %min3A_147 : vector<1x2048xf32> to vector<256x2048xf32>
    %min3A_448 = arith.minimumf %min3A_446, %min3A_447 : vector<256x2048xf32>
    %max3A_449 = vector.broadcast %slice3A_439 : vector<256x1xf32> to vector<256x2048xf32>
    %max3A_450 = vector.broadcast %min3A_127 : vector<1x2048xf32> to vector<256x2048xf32>
    %max3A_451 = arith.maximumf %max3A_449, %max3A_450 : vector<256x2048xf32>
    %sub3A_452 = arith.subf %min3A_448, %max3A_451 : vector<256x2048xf32>
    %min3A_453 = vector.broadcast %slice3A_442 : vector<256x1xf32> to vector<256x2048xf32>
    %min3A_454 = vector.broadcast %min3A_157 : vector<1x2048xf32> to vector<256x2048xf32>
    %min3A_455 = arith.minimumf %min3A_453, %min3A_454 : vector<256x2048xf32>
    %max3A_456 = vector.broadcast %slice3A_440 : vector<256x1xf32> to vector<256x2048xf32>
    %max3A_457 = vector.broadcast %min3A_137 : vector<1x2048xf32> to vector<256x2048xf32>
    %max3A_458 = arith.maximumf %max3A_456, %max3A_457 : vector<256x2048xf32>
    %sub3A_459 = arith.subf %min3A_455, %max3A_458 : vector<256x2048xf32>
    %max3A_460 = arith.constant 0.000000e+00 : f32
    %max3A_461 = vector.broadcast %max3A_460 : f32 to vector<256x2048xf32>
    %max3A_462 = arith.maximumf %sub3A_452, %max3A_461 : vector<256x2048xf32>
    %max3A_463 = arith.constant 0.000000e+00 : f32
    %max3A_464 = vector.broadcast %max3A_463 : f32 to vector<256x2048xf32>
    %max3A_465 = arith.maximumf %sub3A_459, %max3A_464 : vector<256x2048xf32>
    %mul3A_466 = arith.mulf %max3A_462, %max3A_465 : vector<256x2048xf32>
    %add3A_467 = vector.broadcast %mul3A_445 : vector<256x1xf32> to vector<256x2048xf32>
    %add3A_468 = vector.broadcast %mul3A_160 : vector<1x2048xf32> to vector<256x2048xf32>
    %add3A_469 = arith.addf %add3A_467, %add3A_468 : vector<256x2048xf32>
    %sub3A_470 = arith.subf %add3A_469, %mul3A_466 : vector<256x2048xf32>
    %max3A_471 = arith.constant 9.99999997E-7 : f32
    %max3A_472 = vector.broadcast %max3A_471 : f32 to vector<256x2048xf32>
    %max3A_473 = arith.maximumf %sub3A_470, %max3A_472 : vector<256x2048xf32>
    %div3A_474 = arith.divf %mul3A_466, %max3A_473 : vector<256x2048xf32>
    %iota3A_475 = tpu.iota {dimensions = array<i32: 0>} : vector<256x1xi32>
    %add3A_476 = arith.constant 1280 : i32
    %add3A_477 = vector.broadcast %add3A_476 : i32 to vector<256x1xi32>
    %add3A_478 = arith.addi %iota3A_475, %add3A_477 : vector<256x1xi32>
    %gt3A_479 = arith.constant 0.699999988 : f32
    %gt3A_480 = vector.broadcast %gt3A_479 : f32 to vector<256x2048xf32>
    %gt3A_481 = arith.cmpf ogt, %div3A_474, %gt3A_480 : vector<256x2048xf32>
    %lt3A_482 = vector.broadcast %add3A_478 : vector<256x1xi32> to vector<256x2048xi32>
    %lt3A_483 = vector.broadcast %iota3A : vector<1x2048xi32> to vector<256x2048xi32>
    %lt3A_484 = arith.cmpi slt, %lt3A_482, %lt3A_483 : vector<256x2048xi32>
    %and3A_485 = arith.andi %gt3A_481, %lt3A_484 : vector<256x2048xi1>
    %jit3A_486 = arith.constant 1.000000e+00 : f32
    %jit3A_487 = arith.constant 0.000000e+00 : f32
    %broadcast_in_dim3A_488 = vector.broadcast %jit3A_486 : f32 to vector<256x2048xf32>
    %broadcast_in_dim3A_489 = vector.broadcast %jit3A_487 : f32 to vector<256x2048xf32>
    %select_n3A_490 = arith.select %and3A_485, %broadcast_in_dim3A_488, %broadcast_in_dim3A_489 : vector<256x2048xi1>, vector<256x2048xf32>
    %swap3A_491 = arith.constant 1280 : index
    %swap3A_492 = arith.constant 0 : index
    %swap3A_493 = vector.load %arg7[%swap3A_491, %swap3A_492] : memref<2048x2048xf32, #tpu.memory_space<vmem>>, vector<256x2048xf32>
    tpu.vector_store %arg7[%swap3A_491, %swap3A_492], %select_n3A_490 {strides = array<i32>} : memref<2048x2048xf32, #tpu.memory_space<vmem>>, vector<256x2048xf32>,
    %slice3A_494 = vector.extract_strided_slice %min3A_38 {offsets = [1536, 0], sizes = [256, 1], strides = [1, 1]} : vector<2048x1xf32> to vector<256x1xf32>
    %slice3A_495 = vector.extract_strided_slice %min3A_48 {offsets = [1536, 0], sizes = [256, 1], strides = [1, 1]} : vector<2048x1xf32> to vector<256x1xf32>
    %slice3A_496 = vector.extract_strided_slice %min3A_58 {offsets = [1536, 0], sizes = [256, 1], strides = [1, 1]} : vector<2048x1xf32> to vector<256x1xf32>
    %slice3A_497 = vector.extract_strided_slice %min3A_68 {offsets = [1536, 0], sizes = [256, 1], strides = [1, 1]} : vector<2048x1xf32> to vector<256x1xf32>
    %sub3A_498 = arith.subf %slice3A_496, %slice3A_494 : vector<256x1xf32>
    %sub3A_499 = arith.subf %slice3A_497, %slice3A_495 : vector<256x1xf32>
    %mul3A_500 = arith.mulf %sub3A_498, %sub3A_499 : vector<256x1xf32>
    %min3A_501 = vector.broadcast %slice3A_496 : vector<256x1xf32> to vector<256x2048xf32>
    %min3A_502 = vector.broadcast %min3A_147 : vector<1x2048xf32> to vector<256x2048xf32>
    %min3A_503 = arith.minimumf %min3A_501, %min3A_502 : vector<256x2048xf32>
    %max3A_504 = vector.broadcast %slice3A_494 : vector<256x1xf32> to vector<256x2048xf32>
    %max3A_505 = vector.broadcast %min3A_127 : vector<1x2048xf32> to vector<256x2048xf32>
    %max3A_506 = arith.maximumf %max3A_504, %max3A_505 : vector<256x2048xf32>
    %sub3A_507 = arith.subf %min3A_503, %max3A_506 : vector<256x2048xf32>
    %min3A_508 = vector.broadcast %slice3A_497 : vector<256x1xf32> to vector<256x2048xf32>
    %min3A_509 = vector.broadcast %min3A_157 : vector<1x2048xf32> to vector<256x2048xf32>
    %min3A_510 = arith.minimumf %min3A_508, %min3A_509 : vector<256x2048xf32>
    %max3A_511 = vector.broadcast %slice3A_495 : vector<256x1xf32> to vector<256x2048xf32>
    %max3A_512 = vector.broadcast %min3A_137 : vector<1x2048xf32> to vector<256x2048xf32>
    %max3A_513 = arith.maximumf %max3A_511, %max3A_512 : vector<256x2048xf32>
    %sub3A_514 = arith.subf %min3A_510, %max3A_513 : vector<256x2048xf32>
    %max3A_515 = arith.constant 0.000000e+00 : f32
    %max3A_516 = vector.broadcast %max3A_515 : f32 to vector<256x2048xf32>
    %max3A_517 = arith.maximumf %sub3A_507, %max3A_516 : vector<256x2048xf32>
    %max3A_518 = arith.constant 0.000000e+00 : f32
    %max3A_519 = vector.broadcast %max3A_518 : f32 to vector<256x2048xf32>
    %max3A_520 = arith.maximumf %sub3A_514, %max3A_519 : vector<256x2048xf32>
    %mul3A_521 = arith.mulf %max3A_517, %max3A_520 : vector<256x2048xf32>
    %add3A_522 = vector.broadcast %mul3A_500 : vector<256x1xf32> to vector<256x2048xf32>
    %add3A_523 = vector.broadcast %mul3A_160 : vector<1x2048xf32> to vector<256x2048xf32>
    %add3A_524 = arith.addf %add3A_522, %add3A_523 : vector<256x2048xf32>
    %sub3A_525 = arith.subf %add3A_524, %mul3A_521 : vector<256x2048xf32>
    %max3A_526 = arith.constant 9.99999997E-7 : f32
    %max3A_527 = vector.broadcast %max3A_526 : f32 to vector<256x2048xf32>
    %max3A_528 = arith.maximumf %sub3A_525, %max3A_527 : vector<256x2048xf32>
    %div3A_529 = arith.divf %mul3A_521, %max3A_528 : vector<256x2048xf32>
    %iota3A_530 = tpu.iota {dimensions = array<i32: 0>} : vector<256x1xi32>
    %add3A_531 = arith.constant 1536 : i32
    %add3A_532 = vector.broadcast %add3A_531 : i32 to vector<256x1xi32>
    %add3A_533 = arith.addi %iota3A_530, %add3A_532 : vector<256x1xi32>
    %gt3A_534 = arith.constant 0.699999988 : f32
    %gt3A_535 = vector.broadcast %gt3A_534 : f32 to vector<256x2048xf32>
    %gt3A_536 = arith.cmpf ogt, %div3A_529, %gt3A_535 : vector<256x2048xf32>
    %lt3A_537 = vector.broadcast %add3A_533 : vector<256x1xi32> to vector<256x2048xi32>
    %lt3A_538 = vector.broadcast %iota3A : vector<1x2048xi32> to vector<256x2048xi32>
    %lt3A_539 = arith.cmpi slt, %lt3A_537, %lt3A_538 : vector<256x2048xi32>
    %and3A_540 = arith.andi %gt3A_536, %lt3A_539 : vector<256x2048xi1>
    %jit3A_541 = arith.constant 1.000000e+00 : f32
    %jit3A_542 = arith.constant 0.000000e+00 : f32
    %broadcast_in_dim3A_543 = vector.broadcast %jit3A_541 : f32 to vector<256x2048xf32>
    %broadcast_in_dim3A_544 = vector.broadcast %jit3A_542 : f32 to vector<256x2048xf32>
    %select_n3A_545 = arith.select %and3A_540, %broadcast_in_dim3A_543, %broadcast_in_dim3A_544 : vector<256x2048xi1>, vector<256x2048xf32>
    %swap3A_546 = arith.constant 1536 : index
    %swap3A_547 = arith.constant 0 : index
    %swap3A_548 = vector.load %arg7[%swap3A_546, %swap3A_547] : memref<2048x2048xf32, #tpu.memory_space<vmem>>, vector<256x2048xf32>
    tpu.vector_store %arg7[%swap3A_546, %swap3A_547], %select_n3A_545 {strides = array<i32>} : memref<2048x2048xf32, #tpu.memory_space<vmem>>, vector<256x2048xf32>,
    %slice3A_549 = vector.extract_strided_slice %min3A_38 {offsets = [1792, 0], sizes = [256, 1], strides = [1, 1]} : vector<2048x1xf32> to vector<256x1xf32>
    %slice3A_550 = vector.extract_strided_slice %min3A_48 {offsets = [1792, 0], sizes = [256, 1], strides = [1, 1]} : vector<2048x1xf32> to vector<256x1xf32>
    %slice3A_551 = vector.extract_strided_slice %min3A_58 {offsets = [1792, 0], sizes = [256, 1], strides = [1, 1]} : vector<2048x1xf32> to vector<256x1xf32>
    %slice3A_552 = vector.extract_strided_slice %min3A_68 {offsets = [1792, 0], sizes = [256, 1], strides = [1, 1]} : vector<2048x1xf32> to vector<256x1xf32>
    %sub3A_553 = arith.subf %slice3A_551, %slice3A_549 : vector<256x1xf32>
    %sub3A_554 = arith.subf %slice3A_552, %slice3A_550 : vector<256x1xf32>
    %mul3A_555 = arith.mulf %sub3A_553, %sub3A_554 : vector<256x1xf32>
    %min3A_556 = vector.broadcast %slice3A_551 : vector<256x1xf32> to vector<256x2048xf32>
    %min3A_557 = vector.broadcast %min3A_147 : vector<1x2048xf32> to vector<256x2048xf32>
    %min3A_558 = arith.minimumf %min3A_556, %min3A_557 : vector<256x2048xf32>
    %max3A_559 = vector.broadcast %slice3A_549 : vector<256x1xf32> to vector<256x2048xf32>
    %max3A_560 = vector.broadcast %min3A_127 : vector<1x2048xf32> to vector<256x2048xf32>
    %max3A_561 = arith.maximumf %max3A_559, %max3A_560 : vector<256x2048xf32>
    %sub3A_562 = arith.subf %min3A_558, %max3A_561 : vector<256x2048xf32>
    %min3A_563 = vector.broadcast %slice3A_552 : vector<256x1xf32> to vector<256x2048xf32>
    %min3A_564 = vector.broadcast %min3A_157 : vector<1x2048xf32> to vector<256x2048xf32>
    %min3A_565 = arith.minimumf %min3A_563, %min3A_564 : vector<256x2048xf32>
    %max3A_566 = vector.broadcast %slice3A_550 : vector<256x1xf32> to vector<256x2048xf32>
    %max3A_567 = vector.broadcast %min3A_137 : vector<1x2048xf32> to vector<256x2048xf32>
    %max3A_568 = arith.maximumf %max3A_566, %max3A_567 : vector<256x2048xf32>
    %sub3A_569 = arith.subf %min3A_565, %max3A_568 : vector<256x2048xf32>
    %max3A_570 = arith.constant 0.000000e+00 : f32
    %max3A_571 = vector.broadcast %max3A_570 : f32 to vector<256x2048xf32>
    %max3A_572 = arith.maximumf %sub3A_562, %max3A_571 : vector<256x2048xf32>
    %max3A_573 = arith.constant 0.000000e+00 : f32
    %max3A_574 = vector.broadcast %max3A_573 : f32 to vector<256x2048xf32>
    %max3A_575 = arith.maximumf %sub3A_569, %max3A_574 : vector<256x2048xf32>
    %mul3A_576 = arith.mulf %max3A_572, %max3A_575 : vector<256x2048xf32>
    %add3A_577 = vector.broadcast %mul3A_555 : vector<256x1xf32> to vector<256x2048xf32>
    %add3A_578 = vector.broadcast %mul3A_160 : vector<1x2048xf32> to vector<256x2048xf32>
    %add3A_579 = arith.addf %add3A_577, %add3A_578 : vector<256x2048xf32>
    %sub3A_580 = arith.subf %add3A_579, %mul3A_576 : vector<256x2048xf32>
    %max3A_581 = arith.constant 9.99999997E-7 : f32
    %max3A_582 = vector.broadcast %max3A_581 : f32 to vector<256x2048xf32>
    %max3A_583 = arith.maximumf %sub3A_580, %max3A_582 : vector<256x2048xf32>
    %div3A_584 = arith.divf %mul3A_576, %max3A_583 : vector<256x2048xf32>
    %iota3A_585 = tpu.iota {dimensions = array<i32: 0>} : vector<256x1xi32>
    %add3A_586 = arith.constant 1792 : i32
    %add3A_587 = vector.broadcast %add3A_586 : i32 to vector<256x1xi32>
    %add3A_588 = arith.addi %iota3A_585, %add3A_587 : vector<256x1xi32>
    %gt3A_589 = arith.constant 0.699999988 : f32
    %gt3A_590 = vector.broadcast %gt3A_589 : f32 to vector<256x2048xf32>
    %gt3A_591 = arith.cmpf ogt, %div3A_584, %gt3A_590 : vector<256x2048xf32>
    %lt3A_592 = vector.broadcast %add3A_588 : vector<256x1xi32> to vector<256x2048xi32>
    %lt3A_593 = vector.broadcast %iota3A : vector<1x2048xi32> to vector<256x2048xi32>
    %lt3A_594 = arith.cmpi slt, %lt3A_592, %lt3A_593 : vector<256x2048xi32>
    %and3A_595 = arith.andi %gt3A_591, %lt3A_594 : vector<256x2048xi1>
    %jit3A_596 = arith.constant 1.000000e+00 : f32
    %jit3A_597 = arith.constant 0.000000e+00 : f32
    %broadcast_in_dim3A_598 = vector.broadcast %jit3A_596 : f32 to vector<256x2048xf32>
    %broadcast_in_dim3A_599 = vector.broadcast %jit3A_597 : f32 to vector<256x2048xf32>
    %select_n3A_600 = arith.select %and3A_595, %broadcast_in_dim3A_598, %broadcast_in_dim3A_599 : vector<256x2048xi1>, vector<256x2048xf32>
    %swap3A_601 = arith.constant 1792 : index
    %swap3A_602 = arith.constant 0 : index
    %swap3A_603 = vector.load %arg7[%swap3A_601, %swap3A_602] : memref<2048x2048xf32, #tpu.memory_space<vmem>>, vector<256x2048xf32>
    tpu.vector_store %arg7[%swap3A_601, %swap3A_602], %select_n3A_600 {strides = array<i32>} : memref<2048x2048xf32, #tpu.memory_space<vmem>>, vector<256x2048xf32>,
    %jit3A_604 = arith.constant 1.000000e+00 : f32
    %jit3A_605 = arith.constant 0.000000e+00 : f32
    %broadcast_in_dim3A_606 = vector.broadcast %jit3A_604 : f32 to vector<1x2048xf32>
    %broadcast_in_dim3A_607 = vector.broadcast %jit3A_605 : f32 to vector<1x2048xf32>
    %select_n3A_608 = arith.select %and3A, %broadcast_in_dim3A_606, %broadcast_in_dim3A_607 : vector<1x2048xi1>, vector<1x2048xf32>
    %while3A = arith.constant 1 : i32
    %while3A_609:2 = scf.while (%while3A_622 = %select_n3A_608, %while3A_623 = %while3A) : (vector<1x2048xf32>, i32) -> (vector<1x2048xf32>, i32) {
      %gt3A_624 = arith.constant 0 : i32
      %gt3A_625 = arith.cmpi sgt, %while3A_623, %gt3A_624 : i32
      scf.condition(%gt3A_625) %while3A_622, %while3A_623 : vector<1x2048xf32>, i32
    } do {
    ^bb0(%while3A_622: vector<1x2048xf32>, %while3A_623: i32):
      %get3A_624 = arith.constant 0 : index
      %get3A_625 = arith.constant 0 : index
      %get3A_626 = vector.load %arg7[%get3A_624, %get3A_625] : memref<2048x2048xf32, #tpu.memory_space<vmem>>, vector<2048x2048xf32>
      %dot_general3A = arith.constant dense<0.000000e+00> : vector<1x2048xf32>
      %dot_general3A_627 = tpu.matmul %while3A_622, %get3A_626, %dot_general3A {dimension_numbers = #tpu.dot_dimension_numbers<[1], [0], [0], [1], [0, 0, 1, 1], [], []>, transpose_lhs_hint = false} : vector<1x2048xf32>, vector<2048x2048xf32>, vector<1x2048xf32> -> vector<1x2048xf32>
      %gt3A_628 = arith.constant 0.000000e+00 : f32
      %gt3A_629 = vector.broadcast %gt3A_628 : f32 to vector<1x2048xf32>
      %gt3A_630 = arith.cmpf ogt, %dot_general3A_627, %gt3A_629 : vector<1x2048xf32>
      %jit3A_631 = arith.constant 0.000000e+00 : f32
      %broadcast_in_dim3A_632 = vector.broadcast %jit3A_631 : f32 to vector<1x2048xf32>
      %select_n3A_633 = arith.select %gt3A_630, %broadcast_in_dim3A_632, %select_n3A_608 : vector<1x2048xi1>, vector<1x2048xf32>
      %sub3A_634 = arith.subf %select_n3A_633, %while3A_622 : vector<1x2048xf32>
      %abs3A = math.absf %sub3A_634 : vector<1x2048xf32>
      %reduce_sum3A = vector.shape_cast %abs3A : vector<1x2048xf32> to vector<1x1x2048xf32>
      %reduce_sum3A_635 = arith.constant dense<0.000000e+00> : vector<1xf32>
      %reduce_sum3A_636 = vector.multi_reduction <add>, %reduce_sum3A, %reduce_sum3A_635 [1, 2] : vector<1x1x2048xf32> to vector<1xf32>
      %reduce_sum3A_637 = vector.shape_cast %reduce_sum3A_636 : vector<1xf32> to vector<1x1x1xf32>
      %reduce_sum3A_638 = vector.extract %reduce_sum3A_637[0, 0, 0] : f32 from vector<1x1x1xf32>
      %convert_element_type3A = arith.fptosi %reduce_sum3A_638 : f32 to i32
      scf.yield %select_n3A_633, %convert_element_type3A : vector<1x2048xf32>, i32
    }
    %gt3A_610 = arith.constant 0.000000e+00 : f32
    %gt3A_611 = vector.broadcast %gt3A_610 : f32 to vector<1x2048xf32>
    %gt3A_612 = arith.cmpf ogt, %while3A_609#0, %gt3A_611 : vector<1x2048xf32>
    %get3A_613 = arith.constant 0 : index
    %get3A_614 = arith.constant 0 : index
    %get3A_615 = vector.load %arg4[%get3A_613, %get3A_614] : memref<1x2048xf32, #tpu.memory_space<vmem>>, vector<1x2048xf32>
    %jit3A_616 = arith.constant -1.000000e+10 : f32
    %broadcast_in_dim3A_617 = vector.broadcast %jit3A_616 : f32 to vector<1x2048xf32>
    %select_n3A_618 = arith.select %gt3A_612, %get3A_615, %broadcast_in_dim3A_617 : vector<1x2048xi1>, vector<1x2048xf32>
    %swap3A_619 = arith.constant 0 : index
    %swap3A_620 = arith.constant 0 : index
    %swap3A_621 = vector.load %arg6[%swap3A_619, %swap3A_620] : memref<1x2048xf32, #tpu.memory_space<vmem>>, vector<1x2048xf32>
    tpu.vector_store %arg6[%swap3A_619, %swap3A_620], %select_n3A_618 {strides = array<i32>} : memref<1x2048xf32, #tpu.memory_space<vmem>>, vector<1x2048xf32>,
    return
  }
}

</mosaic_0001>

<sc_bundles>
// kernel: gather_offload_async_start.1
scs
__scs_entry_jumppad:
0x0: {  	(pc) =	sbr.rel $0x88, $3  }
0x1: {  	(tag) =	ssettag $0x0;
	lr =	simm.s32 $0x1  }
0x2: {  	[smem:$0x3F9E] =	sst lr;
	_ =	strace $0xD0000000  }
0x3: {  	_ = 	snop  }
0x4: {  	_ = 	snop  }
0x5: {  	_ = 	snop  }
0x6: {  	_ = 	snop  }
0x7: {  	_ = 	snop  }
__scs_overlays_trampoline_lowered:
0x8: {  	[smem:$0x3FAD] =	sst s0  }
0x9: {  	[smem:$0x3FAE] =	sst s1  }
0xa: {  	[smem:$0x3FAF] =	sst s2  }
0xb: {  	[smem:$0x3FB0] =	sst s3  }
0xc: {  	[smem:$0x3FB1] =	sst s4  }
0xd: {  	[smem:$0x3FB2] =	sst s5  }
0xe: {  	[smem:$0x3FB3] =	sst s6  }
0xf: {  	[smem:$0x3FB4] =	sst s7  }
0x10: {  	[smem:$0x3FB5] =	sst s8  }
0x11: {  	[smem:$0x3FB6] =	sst s9;
	s0 =	simm.s32 @!p0 $0x0  }
0x12: {  	s1 =	sld [smem:$0x3F9C];
	s0 =	simm.s32 @p0 $0x1  }
0x13: {  	[smem:$0x3FB7] =	sst s0;
	s0 =	simm.s32 @!p1 $0x0  }
0x14: {  	s2 =	sld [smem:$0x3F9B];
	s0 =	simm.s32 @p1 $0x1  }
0x15: {  	[smem:$0x3FB8] =	sst s0;
	s0 =	simm.s32 @!p2 $0x0  }
0x16: {  	s3 =	sld [smem:$0x3FDB];
	s0 =	simm.s32 @p2 $0x1  }
0x17: {  	s4 =	simm.s32 $0x1BF5;
	[smem:$0x3FBA] =	sst s0  }
0x18: {  	s0 =	sld [smem:$0x3F9D];
	_ =	swait.ge [sflag:s4], $0x0  }
0x19: {  	s7 =	sld [smem:$0x3F9E]  }
0x1a: {  	s8 =	sadd.s32 $0xFFFFE003, lr  }
0x1b: {  	s9 =	sadd.s32 $0xFFFFFEF7, lr;
	s5 =	simm.s32 $0xFFFFFFFF;
	p2 =	slt.u32 s8, $0xFFFFF086  }
0x1c: {  	p1 =	slt.u32 s9, $0xF7A;
	s5 =	simm.s32 @!p2 $0x0  }
0x1d: {  	s5 =	simm.s32 @p1 $0x1;
	p0 =	seq.s32 s7, s2  }
0x1e: {  	s7 =	smul.u32 @!p0 $0xF7A, s2;
	p2 =	seq.s32 @!p0 s5, $0x0  }
0x1f: {  	s9 =	smul.u32 $0xF7A, s1;
	s8 =	simm.s32 @!p0 $0x1BF5;
	p2 =	por !p2, p0  }
0x20: {  	[sflag:s8] =	ssyncset.s32 @!p0 $0xFFFFF086;
	s6 =	sadd.s32 @!p0 s3, s7;
	s7 =	simm.s32 @!p0 $0x108  }
0x21: {  	s3 =	sadd.s32 s3, s9;
	s6 =	sadd.s32 @!p0 $0x88, s6;
	s7 =	simm.s32 @p2 $0x1082  }
0x22: {  	[simem:s7], [sflag:s8] =	dma.local @!p0 [hbm:s6], $0xF7A  }
0x23: {  	s9 =	sor.u32 $0xD0000000, s2;
	s6 =	simm.s32 $0x108;
	_ =	swait.ge @!p0 [sflag:s8], $0x0  }
0x24: {  	s3 =	sadd.s32 $0x88, s3;
	s6 =	simm.s32 @!p1 $0x1082;
	[sflag:s4] =	ssyncset.s32 $0xFFFFF086  }
0x25: {  	[simem:s6], [sflag:s4] =	dma.local [hbm:s3], $0xF7A  }
0x26: {  	[smem:$0x3F9E] =	sst s1;
	(tag) =	ssettag s2;
	_ =	strace s9  }
0x27: {  	s1 =	sld [smem:$0x3FAE]  }
0x28: {  	s2 =	sld [smem:$0x3FAF]  }
0x29: {  	s4 =	sld [smem:$0x3FB1]  }
0x2a: {  	p0 =	seq.s32 s5, $0x0;
	s5 =	sld [smem:$0x3FB2]  }
0x2b: {  	s6 =	sld [smem:$0x3FB3]  }
0x2c: {  	s7 =	sld [smem:$0x3FB4]  }
0x2d: {  	s3 =	simm.s32 $0x108;
	s8 =	sld [smem:$0x3FB5]  }
0x2e: {  	s3 =	simm.s32 @!p0 $0x1082;
	s9 =	sld [smem:$0x3FB6]  }
0x2f: {  	lr =	sadd.s32 s0, s3;
	s0 =	sld [smem:$0x3FAD]  }
0x30: {  	s3 =	sld [smem:$0x3FB0]  }
0x31: {  	[smem:$0x3FB9] =	sst s10  }
0x32: {  	s10 =	sld [smem:$0x3FB7];
	_ =	sdelay $0x3  }
0x33: {  	p0 =	seq.s32 s10, $0x1;
	s10 =	sld [smem:$0x3FB9];
	_ =	sdelay $0x3  }
0x34: {  	[smem:$0x3FB9] =	sst s10  }
0x35: {  	s10 =	sld [smem:$0x3FB8];
	_ =	sdelay $0x3  }
0x36: {  	p1 =	seq.s32 s10, $0x1;
	s10 =	sld [smem:$0x3FB9];
	_ =	sdelay $0x3  }
0x37: {  	[smem:$0x3FB9] =	sst s10  }
0x38: {  	s10 =	sld [smem:$0x3FBA]  }
0x39: {  	_ = 	snop;
	(pc) =	sbr.ind lr, $3  }
0x3a: {  	_ = 	snop  }
0x3b: {  	_ = 	snop  }
0x3c: {  	p2 =	seq.s32 s10, $0x1;
	s10 =	sld [smem:$0x3FB9]  }
0x3d: {  	_ =	shalt  }
0x3e: {  	_ =	shalt  }
0x3f: {  	_ =	shalt  }
0x40: {  	_ =	shalt  }
0x41: {  	_ =	shalt  }
0x42: {  	_ =	shalt  }
0x43: {  	_ =	shalt  }
0x44: {  	_ =	shalt  }
0x45: {  	_ =	shalt  }
0x46: {  	_ =	shalt  }
0x47: {  	_ =	shalt  }
0x48: {  	_ =	shalt  }
0x49: {  	_ =	shalt  }
0x4a: {  	_ =	shalt  }
0x4b: {  	_ =	shalt  }
0x4c: {  	_ =	shalt  }
0x4d: {  	_ =	shalt  }
0x4e: {  	_ =	shalt  }
0x4f: {  	_ =	shalt  }
0x50: {  	_ =	shalt  }
0x51: {  	_ =	shalt  }
0x52: {  	_ =	shalt  }
0x53: {  	_ =	shalt  }
0x54: {  	_ =	shalt  }
0x55: {  	_ =	shalt  }
0x56: {  	_ =	shalt  }
0x57: {  	_ =	shalt  }
0x58: {  	_ =	shalt  }
0x59: {  	_ =	shalt  }
0x5a: {  	_ =	shalt  }
0x5b: {  	_ =	shalt  }
0x5c: {  	_ =	shalt  }
0x5d: {  	_ =	shalt  }
0x5e: {  	_ =	shalt  }
0x5f: {  	_ =	shalt  }
0x60: {  	_ =	shalt  }
0x61: {  	_ =	shalt  }
0x62: {  	_ =	shalt  }
0x63: {  	_ =	shalt  }
0x64: {  	_ =	shalt  }
0x65: {  	_ =	shalt  }
0x66: {  	_ =	shalt  }
0x67: {  	_ =	shalt  }
0x68: {  	_ =	shalt  }
0x69: {  	_ =	shalt  }
0x6a: {  	_ =	shalt  }
0x6b: {  	_ =	shalt  }
0x6c: {  	_ =	shalt  }
0x6d: {  	_ =	shalt  }
0x6e: {  	_ =	shalt  }
0x6f: {  	_ =	shalt  }
0x70: {  	_ =	shalt  }
0x71: {  	_ =	shalt  }
0x72: {  	_ =	shalt  }
0x73: {  	_ =	shalt  }
0x74: {  	_ =	shalt  }
0x75: {  	_ =	shalt  }
0x76: {  	_ =	shalt  }
0x77: {  	_ =	shalt  }
0x78: {  	_ =	shalt  }
0x79: {  	_ =	shalt  }
0x7a: {  	_ =	shalt  }
0x7b: {  	_ =	shalt  }
0x7c: {  	_ =	shalt  }
0x7d: {  	_ =	shalt  }
0x7e: {  	_ =	shalt  }
0x7f: {  	_ =	shalt  }
0x80: {  	_ =	shalt  }
0x81: {  	_ =	shalt  }
0x82: {  	_ =	shalt  }
0x83: {  	_ =	shalt  }
0x84: {  	_ =	shalt  }
0x85: {  	_ =	shalt  }
0x86: {  	_ =	shalt  }
0x87: {  	_ =	shalt  }
.Lfunc_end0:
.L_simem_size_0:
called_computation.1_lowered:
.L_overlay_start_0:
0x88: {  	s0 =	sld [smem:$0x3FD9]  }
0x89: {  	s1 =	sld [smem:$0x3FFE];
	_ =	sdelay $0x3  }
0x8a: {  	s0 =	sadd.s32 s1, s0  }
0x8b: {  	[smem:$0x3FC5] =	sst s0  }
0x8c: {  	_ = 	snop  }
0x8d: {  	s0 =	sld [smem:$0x3FD0];
	(tm) =	ssettm $0x1  }
0x8e: {  	s16 =	sld [smem:$0x3FFB];
	_ =	sdelay $0x3  }
0x8f: {  	_ =	strace s16  }
0x90: {  	s1 =	sld [smem:$0x3FFC];
	_ =	sdelay $0x3  }
0x91: {  	_ =	strace s1  }
0x92: {  	s1 =	sld [smem:$0x3FFD];
	_ =	sdelay $0x3  }
0x93: {  	_ =	strace s1  }
0x94: {  	_ =	strace $0x8FFFFFFF  }
0x95: {  	s17 =	sld [smem:$0x3FDB];
	_ =	sdelay $0x1  }
0x96: {  	s2 =	simm.s32 $_scs_section_size  }
0x97: {  	s3 =	simm.s32 $_size__tile_overlayer_lowered;
	s4 =	simm.s32 $_tile_overlayer_lowered  }
0x98: {  	s20 =	simm.s32 $0x1BFF;
	s19 =	sshll.u32 s4, $0x1;
	s1 =	sadd.s32 s2, s17  }
0x99: {  	s5 =	simm.s32 $0x0;
	s18 =	sshll.u32 s3, $0x1;
	s3 =	sadd.s32 s19, s1  }
0x9a: {  	[timem:s5], [sflag:s20] =	dma.local [hbm:s3], s18  }
0x9b: {  	_ =	swait.ge [sflag:s20], s18  }
0x9c: {  	s2 =	ssub.s32 $0x0, s18;
	[sflag:s20] =	ssyncset.done $0x0  }
0x9d: {  	[sflag:s20] =	ssyncadd.s32 s2;
	_ =	sdelay $0x1  }
0x9e: {  	s21 =	simm.s32 $0x1B8B  }
0x9f: {  	_ =	swait.ge [sflag:s21], $0x1  }
0xa0: {  	[sflag:s21] =	ssyncset.done $0x0  }
0xa1: {  	s23 =	simm.s32 $0x1B8E;
	s22 =	sld [smem:$0x3FFE];
	[sflag:s21] =	ssyncadd.s32 $0xFFFFFFFF  }
0xa2: {  	s24 =	simm.s32 $execute0_lowered;
	[smem:$0x3FD2] =	sst s23  }
0xa3: {  	s3 =	sshll.u32 s24, $0x1;
	_ =	strace $0x80000049;
	[dreg:$0x1] =	wrdreg $0xFFFFFFFF  }
0xa4: {  	s25 =	simm.s32 $_size_execute0_lowered;
	s1 =	sadd.s32 s1, s3;
	[dreg:$0x0] =	wrdreg $0x0  }
0xa5: {  	s3 =	sshll.u32 s25, $0x1;
	[dreg:$0x2] =	wrdreg s1  }
0xa6: {  	[dreg:$0x3] =	wrdreg s3  }
0xa7: {  	[dreg:$0x4] =	wrdreg $0xC0  }
0xa8: {  	_ =	task [dreg:s5], $0x5FFFF  }
0xa9: {  	[dreg:$0x1] =	wrdreg $0xFFFFFFFF  }
0xaa: {  	[dreg:$0x0] =	wrdreg $0x60  }
0xab: {  	[dreg:$0x2] =	wrdreg s22  }
0xac: {  	[dreg:$0x3] =	wrdreg s0  }
0xad: {  	[dreg:$0x4] =	wrdreg $0xA  }
0xae: {  	_ =	task.clear_ibuf [dreg:s5], $0x5FFFF;
	_ =	strace $0x90000049  }
0xaf: {  	s26 =	simm.s32 $0xA;
	_ =	strace $0x8000004B  }
0xb0: {  	_ =	swait.ge [sflag:s26], $0x1  }
0xb1: {  	[sflag:s26] =	ssyncadd.s32 $0xFFFFFFFF  }
0xb2: {  	_ =	strace $0x9000004B  }
0xb3: {  	_ =	sfence  }
0xb4: {  	s28 =	sld [smem:$0x0];
	_ =	sdelay $0x1  }
0xb5: {  	s29 =	srdreg.scid  }
0xb6: {  	s30 =	sshll.u32 s29, $0xD;
	s31 =	sshrl.u32 s29, $0x2  }
0xb7: {  	s2 =	sand.u32 $0x4000, s30;
	s1 =	sand.u32 $0x1, s29;
	s0 =	sadd.s32 s31, s28  }
0xb8: {  	s1 =	sor.u32 s2, s1;
	s0 =	sshll.u32 s0, $0x11  }
0xb9: {  	s0 =	sor.u32 s0, s1  }
0xba: {  	s0 =	sadd.s32 $0x8F2B, s0  }
0xbb: {  	[sflag:s0] =	ssyncadd.remote.s32 $0x1  }
0xbc: {  	_ =	sfence.sel $0xFFFF  }
0xbd: {  	[dreg:$0x0] =	wrdreg $0xFFFFFFFF;
	(pc) =	sbr.abs _section_cstart, $3  }
0xbe: {  	[dreg:$0x1] =	wrdreg $0xFFFFFFFF  }
0xbf: {  	_ =	task.clear_ibuf [dreg:s5], $0x2FFFF;
	_ =	strace $0x9FFFFFFF  }
0xc0: {  	(tm) =	ssettm $0x7FFFFFFF  }
0xc1: {  	_ =	shalt  }
tec
execute0_lowered:
.L_overlay_start_1:
0x0: {  	(tag) =	ssettag $0x1  }
0x1: {  	s0 =	stileid.u32  }
0x2: {  	s1 =	smin.u32 s0, $0x9  }
0x3: {  	s1 =	sadd.s32 s0, s1  }
0x4: {  	s2 =	simm.s32 $0xA0;
	p0 =	slt.u32 s0, $0x9;
	s1 =	smul.u32 $0x50, s1  }
0x5: {  	s2 =	simm.s32 @!p0 $0x50  }
0x6: {  	s2 =	sadd.s32 s2, s1  }
0x7: {  	s3 =	smin.u32 s2, $0x7D0  }
0x8: {  	s7 =	ssub.s32 s3, s1  }
0x9: {  	p0 =	sgt.s32 s7, $0x0  }
0xa: {  	s7 =	simm.s32 @!p0 $0x0  }
0xb: {  	s9 =	rddreg [dreg:$0x0];
	s31 =	smul.u32 $0xCCCD, s7  }
0xc: {  	s4 =	rddreg [dreg:$0x1];
	s6 =	simm.s32 $0x1  }
0xd: {  	s11 =	simm.s32 $0x3;
	s13 =	simm.s32 $0x0;
	s8 =	sshrl.u32 s31, $0x16  }
0xe: {  	s12 =	simm.s32 $0x0;
	s5 =	sadd.s32 $0x56000, s9;
	s10 =	smul.u32 $0x50, s8  }
.Ltmp0:
0xf: {  	s9 =	sadd.s32 $0xA4200, s9;
	s2 =	rddreg [dreg:$0x2];
	(pc) =	sbr.rel .LBB2_1-.Ltmp0, $4  }
0x10: {  	_ =	strace $0x8000004A;
	p0 =	sne.s32 s7, s10;
	s10 =	simm.s32 $0x1  }
0x11: {  	[sflag:s6] =	ssyncpa.u1 $0x0;
	s7 =	simm.s32 $0x2;
	s10 =	simm.s32 @!p0 $0x0  }
0x12: {  	[sflag:s7] =	ssyncpa.u1 $0x0;
	p0 =	por $0x0, $0x0;
	s8 =	sadd.s32 s8, s10  }
0x13: {  	vm0 =	vmmov $0xff;
	vm1 =	vcmask $0x3F20;
	[sflag:s11] =	ssyncpa.u1 $0x0;
	s11 =	smov.u32 s1;
	s10 =	sadd.s32 $0x1, s8  }
.LBB2_6:
0x14: {  	[hbm:s17] =	stream.linear.scatter [tilespmem:s14], [sflag:$0x3], $0x400, $0x38;
	[tilespmem:$0x50A0] =	vst v63  }
.LBB2_7:
0x15: {  	s13 =	sadd.s32 $0x50, s11  }
0x16: {  	s15 =	smov.u32 s1;
	p2 =	slt.s32 s13, s3  }
0x17: {  	s15 =	smov.u32 @p2 s13;
	p2 =	sne.s32 s12, s10  }
.Ltmp1:
0x18: {  	p1 =	slt.u32 s12, $0x2;
	(pc) =	sbr.rel @!p2 .LBB2_8-.Ltmp1, $4  }
0x19: {  	s14 =	simm.s32 @!p1 $0x3  }
0x1a: {  	s16 =	sadd.s32 $0x1, s12;
	_ =	swait.ge @!p1 [sflag:s14], $0x2800  }
0x1b: {  	p0 =	por !p0, !p0;
	s13 =	smov.u32 s11;
	[sflag:s14] =	ssyncset.done @!p1 $0x0  }
0x1c: {  	s12 =	smov.u32 s16;
	s11 =	smov.u32 s15;
	[sflag:s14] =	ssyncadd.s32 @!p1 $0xFFFFD800  }
.LBB2_1:
0x1d: {  	p1 =	sge.u32 s12, s8  }
0x1e: {  	s14 =	sxor.u32 @!p1 $0xFFFFFFFF, s12  }
0x1f: {  	s14 =	sand.u32 @!p1 $0x1, s14  }
0x20: {  	s14 =	smul.u32 @!p1 $0x140, s14  }
0x21: {  	s31 =	sadd.s32 $0xFFFFFFFF, s12;
	s15 =	sshrl.u32 @!p1 s11, $0x3  }
0x22: {  	s16 =	sand.u32 @!p1 $0x7, s11;
	s15 =	sadd.s32 @!p1 s4, s15;
	s14 =	sshrl.u32 @!p1 s14, $0x2  }
0x23: {  	[tilespmem:s14], [sflag:$0x2] =	stream.linear.gather @!p1 [hbm4b:s15+s16], $0x50, $0x38;
	[tilespmem:$0x50A0] =	vst v63  }
0x24: {  	p1 =	sge.u32 s31, s8  }
.Ltmp2:
0x25: {  	_ = 	snop;
	(pc) =	sbr.rel @p1 .LBB2_7-.Ltmp2, $1  }
0x26: {  	_ =	sdelay $0x3  }
0x27: {  	s14 =	simm.s32 $0x1  }
0x28: {  	s14 =	simm.s32 @!p0 $0x0  }
0x29: {  	s15 =	smul.u32 $0x140, s14  }
0x2a: {  	_ =	swait.ge [sflag:s7], $0x50  }
0x2b: {  	[sflag:s7] =	ssyncset.done $0x0;
	s16 =	sshrl.u32 s15, $0x2  }
0x2c: {  	[sflag:s7] =	ssyncadd.s32 $0xFFFFFFB0;
	s15 =	sadd.s32 $0x0, s16  }
0x2d: {  	v0 =	vld.msk [tilespmem:s15+$0x0 ss:$0x1], $0xffff;
	_ =	sdelay $0x4  }
0x2e: {  	vm2 =	vgt.s32 v0, $0x0  }
0x2f: {  	v0 =	vnsel vm2, $0x0, v0  }
0x30: {  	v0 =	vmin.u32 v0, $0x4E1F  }
0x31: {  	v0 =	vshll.u32 v0, $0x4  }
0x32: {  	s14 =	smul.u32 $0xA000, s14;
	_ =	sdelay $0x1  }
0x33: {  	s14 =	sshrl.u32 s14, $0x2  }
0x34: {  	s14 =	sor.u32 $0xA0, s14  }
0x35: {  	[tilespmem:s14], [sflag:$0x1] =	stream.indirect_vreg.gather [hbm:s5], $0x80, v0, vm0, $0x38;
	[tilespmem:$0x50A0] =	vst v63  }
0x36: {  	s17 =	sadd.s32 $0x10, s16;
	s15 =	sadd.s32 $0x400, s14  }
0x37: {  	[tilespmem:s15], [sflag:$0x1] =	stream.indirect_vreg.gather [hbm:s5], $0x80, v0, vm1, $0x38;
	[tilespmem:$0x50A0] =	vst v63  }
0x38: {  	s18 =	simm.s32 $0x80;
	v0 =	vld.msk [tilespmem:s17+$0x0 ss:$0x1], $0xffff;
	s17 =	smov.u32 s14  }
.LBB2_3:
0x39: {  	p1 =	sne.s32 s18, $0x100;
	_ =	sdelay $0x4  }
0x3a: {  	vm2 =	vgt.s32 v0, $0x0  }
0x3b: {  	v0 =	vnsel vm2, $0x0, v0  }
0x3c: {  	v0 =	vmin.u32 v0, $0x4E1F  }
0x3d: {  	v0 =	vshll.u32 v0, $0x4;
	_ =	sdelay $0x3  }
.Ltmp3:
0x3e: {  	s19 =	sshra.s32 s18, $0x2;
	s17 =	sadd.s32 $0x800, s17;
	(pc) =	sbr.rel @p1 .LBB2_3-.Ltmp3, $4  }
0x3f: {  	[tilespmem:s17], [sflag:$0x1] =	stream.indirect_vreg.gather [hbm:s5], $0x80, v0, vm0, $0x38;
	[tilespmem:$0x50A0] =	vst v63  }
0x40: {  	s19 =	sadd.s32 s19, s16;
	s20 =	sadd.s32 $0x400, s17  }
0x41: {  	[tilespmem:s20], [sflag:$0x1] =	stream.indirect_vreg.gather [hbm:s5], $0x80, v0, vm1, $0x38;
	[tilespmem:$0x50A0] =	vst v63  }
0x42: {  	s18 =	sadd.s32 $0x40, s18;
	v0 =	vld.msk [tilespmem:s19+$0x0 ss:$0x1], $0xffff  }
0x43: {  	_ =	sdelay $0x3  }
0x44: {  	vm2 =	vgt.s32 v0, $0x0  }
0x45: {  	v0 =	vnsel vm2, $0x0, v0  }
0x46: {  	v0 =	vmin.u32 v0, $0x4E1F  }
0x47: {  	v0 =	vshll.u32 v0, $0x4;
	_ =	sdelay $0x3  }
0x48: {  	s16 =	sadd.s32 $0x800, s17  }
0x49: {  	[tilespmem:s16], [sflag:$0x1] =	stream.indirect_vreg.gather [hbm:s5], $0x80, v0, vm0, $0x38;
	[tilespmem:$0x50A0] =	vst v63  }
0x4a: {  	s16 =	sadd.s32 $0x400, s16  }
0x4b: {  	[tilespmem:s16], [sflag:$0x1] =	stream.indirect_vreg.gather [hbm:s5], $0x80, v0, vm1, $0x38;
	[tilespmem:$0x50A0] =	vst v63  }
0x4c: {  	s13 =	sshll.u32 s13, $0x4;
	_ =	swait.ge [sflag:s6], $0x2800  }
0x4d: {  	s13 =	sadd.s32 s13, s9;
	[sflag:s6] =	ssyncset.done $0x0  }
0x4e: {  	s17 =	sadd.s32 $0x0, s13;
	s16 =	simm.s32 $0x80;
	[sflag:s6] =	ssyncadd.s32 $0xFFFFD800  }
.LBB2_5:
0x4f: {  	[hbm:s17] =	stream.linear.scatter [tilespmem:s14], [sflag:$0x3], $0x400, $0x38;
	[tilespmem:$0x50A0] =	vst v63  }
0x50: {  	s17 =	smov.u32 s16;
	s14 =	smov.u32 s15;
	p1 =	sne.s32 s16, $0x480  }
.Ltmp4:
0x51: {  	s16 =	sadd.s32 $0x80, s16;
	(pc) =	sbr.rel @p1 .LBB2_5-.Ltmp4, $2  }
0x52: {  	_ =	sdelay $0x2  }
0x53: {  	s15 =	sadd.s32 $0x400, s15;
	s17 =	sadd.s32 s17, s13  }
.Ltmp5:
0x54: {  	_ = 	snop;
	(pc) =	sbr.rel .LBB2_6-.Ltmp5, $1  }
0x55: {  	_ =	sdelay $0x3  }
.LBB2_8:
0x56: {  	_ =	sfence.sel $0x180000  }
0x57: {  	s1 =	simm.s32 $0x2;
	[bflag:$0x0] =	sbarrier.arrive $0xFFFF  }
0x58: {  	s30 =	simm.s32 $0x3;
	[sflag:s1] =	ssyncpa.u1 $0x1  }
0x59: {  	s31 =	simm.s32 $0x1;
	[sflag:s30] =	ssyncpa.u1 $0x1  }
0x5a: {  	[sflag:s31] =	ssyncpa.u1 $0x1  }
0x5b: {  	p0 =	sne.s32 s0, $0x0;
	_ =	strace $0x9000004A  }
0x5c: {  	s0 =	sadd.s32 @!p0 $0x100000, s2;
	[bflag:$0x2] =	sbarrier.arrive $0xFFFF  }
0x5d: {  	[sflag:s0] =	ssyncadd.tile.s32 @!p0 $0x1;
	_ =	shalt  }
.Lfunc_end2:
_tile_overlayer_lowered:
.L_overlay_start_2:
0x5e: {  	(tag) =	ssettag $0x2  }
0x5f: {  	s0 =	rddreg [dreg:$0x0];
	s2 =	stileid.u32  }
0x60: {  	s1 =	rddreg [dreg:$0x1];
	p0 =	sne.s32 s2, $0x0  }
0x61: {  	s3 =	rddreg [dreg:$0x2];
	[bflag:$0x3] =	sbarrier.arrive $0xFFFF;
	s2 =	simm.s32 @!p0 $0x1C01  }
0x62: {  	[timem:s3], [sflag:s2] =	dma.local @!p0 [hbm:s0], s1  }
0x63: {  	s0 =	simm.s32 @!p0 $0x1  }
0x64: {  	_ =	swait.ge @!p0 [sflag:s0], s1  }
0x65: {  	s1 =	ssub.s32 @!p0 $0x0, s1;
	[sflag:s0] =	ssyncset.done @!p0 $0x0  }
0x66: {  	[sflag:s0] =	ssyncadd.s32 @!p0 s1  }
0x67: {  	[bflag:$0x3] =	sbarrier.arrive $0xFFFF  }
0x68: {  	_ =	shalt  }

// kernel: gather_offload_async_start
scs
__scs_entry_jumppad:
0x0: {  	(pc) =	sbr.rel $0x88, $3  }
0x1: {  	(tag) =	ssettag $0x0;
	lr =	simm.s32 $0x1  }
0x2: {  	[smem:$0x3F9E] =	sst lr;
	_ =	strace $0xD0000000  }
0x3: {  	_ = 	snop  }
0x4: {  	_ = 	snop  }
0x5: {  	_ = 	snop  }
0x6: {  	_ = 	snop  }
0x7: {  	_ = 	snop  }
__scs_overlays_trampoline_lowered:
0x8: {  	[smem:$0x3FAD] =	sst s0  }
0x9: {  	[smem:$0x3FAE] =	sst s1  }
0xa: {  	[smem:$0x3FAF] =	sst s2  }
0xb: {  	[smem:$0x3FB0] =	sst s3  }
0xc: {  	[smem:$0x3FB1] =	sst s4  }
0xd: {  	[smem:$0x3FB2] =	sst s5  }
0xe: {  	[smem:$0x3FB3] =	sst s6  }
0xf: {  	[smem:$0x3FB4] =	sst s7  }
0x10: {  	[smem:$0x3FB5] =	sst s8  }
0x11: {  	[smem:$0x3FB6] =	sst s9;
	s0 =	simm.s32 @!p0 $0x0  }
0x12: {  	s1 =	sld [smem:$0x3F9C];
	s0 =	simm.s32 @p0 $0x1  }
0x13: {  	[smem:$0x3FB7] =	sst s0;
	s0 =	simm.s32 @!p1 $0x0  }
0x14: {  	s2 =	sld [smem:$0x3F9B];
	s0 =	simm.s32 @p1 $0x1  }
0x15: {  	[smem:$0x3FB8] =	sst s0;
	s0 =	simm.s32 @!p2 $0x0  }
0x16: {  	s3 =	sld [smem:$0x3FDB];
	s0 =	simm.s32 @p2 $0x1  }
0x17: {  	s4 =	simm.s32 $0x1BF5;
	[smem:$0x3FBA] =	sst s0  }
0x18: {  	s0 =	sld [smem:$0x3F9D];
	_ =	swait.ge [sflag:s4], $0x0  }
0x19: {  	s7 =	sld [smem:$0x3F9E]  }
0x1a: {  	s8 =	sadd.s32 $0xFFFFE003, lr  }
0x1b: {  	s9 =	sadd.s32 $0xFFFFFEF7, lr;
	s5 =	simm.s32 $0xFFFFFFFF;
	p2 =	slt.u32 s8, $0xFFFFF086  }
0x1c: {  	p1 =	slt.u32 s9, $0xF7A;
	s5 =	simm.s32 @!p2 $0x0  }
0x1d: {  	s5 =	simm.s32 @p1 $0x1;
	p0 =	seq.s32 s7, s2  }
0x1e: {  	s7 =	smul.u32 @!p0 $0xF7A, s2;
	p2 =	seq.s32 @!p0 s5, $0x0  }
0x1f: {  	s9 =	smul.u32 $0xF7A, s1;
	s8 =	simm.s32 @!p0 $0x1BF5;
	p2 =	por !p2, p0  }
0x20: {  	[sflag:s8] =	ssyncset.s32 @!p0 $0xFFFFF086;
	s6 =	sadd.s32 @!p0 s3, s7;
	s7 =	simm.s32 @!p0 $0x108  }
0x21: {  	s3 =	sadd.s32 s3, s9;
	s6 =	sadd.s32 @!p0 $0x88, s6;
	s7 =	simm.s32 @p2 $0x1082  }
0x22: {  	[simem:s7], [sflag:s8] =	dma.local @!p0 [hbm:s6], $0xF7A  }
0x23: {  	s9 =	sor.u32 $0xD0000000, s2;
	s6 =	simm.s32 $0x108;
	_ =	swait.ge @!p0 [sflag:s8], $0x0  }
0x24: {  	s3 =	sadd.s32 $0x88, s3;
	s6 =	simm.s32 @!p1 $0x1082;
	[sflag:s4] =	ssyncset.s32 $0xFFFFF086  }
0x25: {  	[simem:s6], [sflag:s4] =	dma.local [hbm:s3], $0xF7A  }
0x26: {  	[smem:$0x3F9E] =	sst s1;
	(tag) =	ssettag s2;
	_ =	strace s9  }
0x27: {  	s1 =	sld [smem:$0x3FAE]  }
0x28: {  	s2 =	sld [smem:$0x3FAF]  }
0x29: {  	s4 =	sld [smem:$0x3FB1]  }
0x2a: {  	p0 =	seq.s32 s5, $0x0;
	s5 =	sld [smem:$0x3FB2]  }
0x2b: {  	s6 =	sld [smem:$0x3FB3]  }
0x2c: {  	s7 =	sld [smem:$0x3FB4]  }
0x2d: {  	s3 =	simm.s32 $0x108;
	s8 =	sld [smem:$0x3FB5]  }
0x2e: {  	s3 =	simm.s32 @!p0 $0x1082;
	s9 =	sld [smem:$0x3FB6]  }
0x2f: {  	lr =	sadd.s32 s0, s3;
	s0 =	sld [smem:$0x3FAD]  }
0x30: {  	s3 =	sld [smem:$0x3FB0]  }
0x31: {  	[smem:$0x3FB9] =	sst s10  }
0x32: {  	s10 =	sld [smem:$0x3FB7];
	_ =	sdelay $0x3  }
0x33: {  	p0 =	seq.s32 s10, $0x1;
	s10 =	sld [smem:$0x3FB9];
	_ =	sdelay $0x3  }
0x34: {  	[smem:$0x3FB9] =	sst s10  }
0x35: {  	s10 =	sld [smem:$0x3FB8];
	_ =	sdelay $0x3  }
0x36: {  	p1 =	seq.s32 s10, $0x1;
	s10 =	sld [smem:$0x3FB9];
	_ =	sdelay $0x3  }
0x37: {  	[smem:$0x3FB9] =	sst s10  }
0x38: {  	s10 =	sld [smem:$0x3FBA]  }
0x39: {  	_ = 	snop;
	(pc) =	sbr.ind lr, $3  }
0x3a: {  	_ = 	snop  }
0x3b: {  	_ = 	snop  }
0x3c: {  	p2 =	seq.s32 s10, $0x1;
	s10 =	sld [smem:$0x3FB9]  }
0x3d: {  	_ =	shalt  }
0x3e: {  	_ =	shalt  }
0x3f: {  	_ =	shalt  }
0x40: {  	_ =	shalt  }
0x41: {  	_ =	shalt  }
0x42: {  	_ =	shalt  }
0x43: {  	_ =	shalt  }
0x44: {  	_ =	shalt  }
0x45: {  	_ =	shalt  }
0x46: {  	_ =	shalt  }
0x47: {  	_ =	shalt  }
0x48: {  	_ =	shalt  }
0x49: {  	_ =	shalt  }
0x4a: {  	_ =	shalt  }
0x4b: {  	_ =	shalt  }
0x4c: {  	_ =	shalt  }
0x4d: {  	_ =	shalt  }
0x4e: {  	_ =	shalt  }
0x4f: {  	_ =	shalt  }
0x50: {  	_ =	shalt  }
0x51: {  	_ =	shalt  }
0x52: {  	_ =	shalt  }
0x53: {  	_ =	shalt  }
0x54: {  	_ =	shalt  }
0x55: {  	_ =	shalt  }
0x56: {  	_ =	shalt  }
0x57: {  	_ =	shalt  }
0x58: {  	_ =	shalt  }
0x59: {  	_ =	shalt  }
0x5a: {  	_ =	shalt  }
0x5b: {  	_ =	shalt  }
0x5c: {  	_ =	shalt  }
0x5d: {  	_ =	shalt  }
0x5e: {  	_ =	shalt  }
0x5f: {  	_ =	shalt  }
0x60: {  	_ =	shalt  }
0x61: {  	_ =	shalt  }
0x62: {  	_ =	shalt  }
0x63: {  	_ =	shalt  }
0x64: {  	_ =	shalt  }
0x65: {  	_ =	shalt  }
0x66: {  	_ =	shalt  }
0x67: {  	_ =	shalt  }
0x68: {  	_ =	shalt  }
0x69: {  	_ =	shalt  }
0x6a: {  	_ =	shalt  }
0x6b: {  	_ =	shalt  }
0x6c: {  	_ =	shalt  }
0x6d: {  	_ =	shalt  }
0x6e: {  	_ =	shalt  }
0x6f: {  	_ =	shalt  }
0x70: {  	_ =	shalt  }
0x71: {  	_ =	shalt  }
0x72: {  	_ =	shalt  }
0x73: {  	_ =	shalt  }
0x74: {  	_ =	shalt  }
0x75: {  	_ =	shalt  }
0x76: {  	_ =	shalt  }
0x77: {  	_ =	shalt  }
0x78: {  	_ =	shalt  }
0x79: {  	_ =	shalt  }
0x7a: {  	_ =	shalt  }
0x7b: {  	_ =	shalt  }
0x7c: {  	_ =	shalt  }
0x7d: {  	_ =	shalt  }
0x7e: {  	_ =	shalt  }
0x7f: {  	_ =	shalt  }
0x80: {  	_ =	shalt  }
0x81: {  	_ =	shalt  }
0x82: {  	_ =	shalt  }
0x83: {  	_ =	shalt  }
0x84: {  	_ =	shalt  }
0x85: {  	_ =	shalt  }
0x86: {  	_ =	shalt  }
0x87: {  	_ =	shalt  }
.Lfunc_end0:
.L_simem_size_0:
called_computation_lowered:
.L_overlay_start_0:
0x88: {  	s0 =	sld [smem:$0x3FD9]  }
0x89: {  	s1 =	sld [smem:$0x3FFE];
	_ =	sdelay $0x3  }
0x8a: {  	s0 =	sadd.s32 s1, s0  }
0x8b: {  	[smem:$0x3FC5] =	sst s0  }
0x8c: {  	_ = 	snop  }
0x8d: {  	s0 =	sld [smem:$0x3FD0];
	(tm) =	ssettm $0x1  }
0x8e: {  	s16 =	sld [smem:$0x3FFB];
	_ =	sdelay $0x3  }
0x8f: {  	_ =	strace s16  }
0x90: {  	s1 =	sld [smem:$0x3FFC];
	_ =	sdelay $0x3  }
0x91: {  	_ =	strace s1  }
0x92: {  	s1 =	sld [smem:$0x3FFD];
	_ =	sdelay $0x3  }
0x93: {  	_ =	strace s1  }
0x94: {  	_ =	strace $0x8FFFFFFF  }
0x95: {  	s17 =	sld [smem:$0x3FDB];
	_ =	sdelay $0x1  }
0x96: {  	s2 =	simm.s32 $_scs_section_size  }
0x97: {  	s3 =	simm.s32 $_size__tile_overlayer_lowered;
	s4 =	simm.s32 $_tile_overlayer_lowered  }
0x98: {  	s20 =	simm.s32 $0x1BFF;
	s19 =	sshll.u32 s4, $0x1;
	s1 =	sadd.s32 s2, s17  }
0x99: {  	s5 =	simm.s32 $0x0;
	s18 =	sshll.u32 s3, $0x1;
	s3 =	sadd.s32 s19, s1  }
0x9a: {  	[timem:s5], [sflag:s20] =	dma.local [hbm:s3], s18  }
0x9b: {  	_ =	swait.ge [sflag:s20], s18  }
0x9c: {  	s2 =	ssub.s32 $0x0, s18;
	[sflag:s20] =	ssyncset.done $0x0  }
0x9d: {  	[sflag:s20] =	ssyncadd.s32 s2;
	_ =	sdelay $0x1  }
0x9e: {  	s21 =	simm.s32 $0x1B8B  }
0x9f: {  	_ =	swait.ge [sflag:s21], $0x1  }
0xa0: {  	[sflag:s21] =	ssyncset.done $0x0  }
0xa1: {  	s23 =	simm.s32 $0x1B8E;
	s22 =	sld [smem:$0x3FFE];
	[sflag:s21] =	ssyncadd.s32 $0xFFFFFFFF  }
0xa2: {  	s24 =	simm.s32 $execute0_lowered;
	[smem:$0x3FD2] =	sst s23  }
0xa3: {  	s3 =	sshll.u32 s24, $0x1;
	_ =	strace $0x80000046;
	[dreg:$0x1] =	wrdreg $0xFFFFFFFF  }
0xa4: {  	s25 =	simm.s32 $_size_execute0_lowered;
	s1 =	sadd.s32 s1, s3;
	[dreg:$0x0] =	wrdreg $0x0  }
0xa5: {  	s3 =	sshll.u32 s25, $0x1;
	[dreg:$0x2] =	wrdreg s1  }
0xa6: {  	[dreg:$0x3] =	wrdreg s3  }
0xa7: {  	[dreg:$0x4] =	wrdreg $0xC0  }
0xa8: {  	_ =	task [dreg:s5], $0x5FFFF  }
0xa9: {  	[dreg:$0x1] =	wrdreg $0xFFFFFFFF  }
0xaa: {  	[dreg:$0x0] =	wrdreg $0x60  }
0xab: {  	[dreg:$0x2] =	wrdreg s22  }
0xac: {  	[dreg:$0x3] =	wrdreg s0  }
0xad: {  	[dreg:$0x4] =	wrdreg $0x9  }
0xae: {  	_ =	task.clear_ibuf [dreg:s5], $0x5FFFF;
	_ =	strace $0x90000046  }
0xaf: {  	s26 =	simm.s32 $0x9;
	_ =	strace $0x80000048  }
0xb0: {  	_ =	swait.ge [sflag:s26], $0x1  }
0xb1: {  	[sflag:s26] =	ssyncadd.s32 $0xFFFFFFFF  }
0xb2: {  	_ =	strace $0x90000048  }
0xb3: {  	_ =	sfence  }
0xb4: {  	s28 =	sld [smem:$0x0];
	_ =	sdelay $0x1  }
0xb5: {  	s29 =	srdreg.scid  }
0xb6: {  	s30 =	sshll.u32 s29, $0xD;
	s31 =	sshrl.u32 s29, $0x2  }
0xb7: {  	s2 =	sand.u32 $0x4000, s30;
	s1 =	sand.u32 $0x1, s29;
	s0 =	sadd.s32 s31, s28  }
0xb8: {  	s1 =	sor.u32 s2, s1;
	s0 =	sshll.u32 s0, $0x11  }
0xb9: {  	s0 =	sor.u32 s0, s1  }
0xba: {  	s0 =	sadd.s32 $0x8F2B, s0  }
0xbb: {  	[sflag:s0] =	ssyncadd.remote.s32 $0x1  }
0xbc: {  	_ =	sfence.sel $0xFFFF  }
0xbd: {  	[dreg:$0x0] =	wrdreg $0xFFFFFFFF;
	(pc) =	sbr.abs _section_cstart, $3  }
0xbe: {  	[dreg:$0x1] =	wrdreg $0xFFFFFFFF  }
0xbf: {  	_ =	task.clear_ibuf [dreg:s5], $0x2FFFF;
	_ =	strace $0x9FFFFFFF  }
0xc0: {  	(tm) =	ssettm $0x7FFFFFFF  }
0xc1: {  	_ =	shalt  }
tec
execute0_lowered:
.L_overlay_start_1:
0x0: {  	(tag) =	ssettag $0x1  }
0x1: {  	s0 =	stileid.u32  }
0x2: {  	s1 =	smin.u32 s0, $0x9  }
0x3: {  	s1 =	sadd.s32 s0, s1  }
0x4: {  	s2 =	simm.s32 $0xA0;
	p0 =	slt.u32 s0, $0x9;
	s1 =	smul.u32 $0x50, s1  }
0x5: {  	s2 =	simm.s32 @!p0 $0x50  }
0x6: {  	s2 =	sadd.s32 s2, s1  }
0x7: {  	s3 =	smin.u32 s2, $0x7D0  }
0x8: {  	s7 =	ssub.s32 s3, s1  }
0x9: {  	p0 =	sgt.s32 s7, $0x0  }
0xa: {  	s7 =	simm.s32 @!p0 $0x0  }
0xb: {  	s4 =	rddreg [dreg:$0x0];
	s31 =	smul.u32 $0xCCCD, s7  }
0xc: {  	s5 =	rddreg [dreg:$0x1]  }
0xd: {  	s6 =	simm.s32 $0x1;
	s10 =	simm.s32 $0x3;
	s8 =	sshrl.u32 s31, $0x16  }
0xe: {  	s13 =	simm.s32 $0x0;
	s12 =	simm.s32 $0x0;
	s9 =	smul.u32 $0x50, s8  }
.Ltmp0:
0xf: {  	s11 =	smov.u32 s1;
	s2 =	rddreg [dreg:$0x2];
	(pc) =	sbr.rel .LBB2_1-.Ltmp0, $4  }
0x10: {  	_ =	strace $0x80000047;
	p0 =	sne.s32 s7, s9;
	s9 =	simm.s32 $0x1  }
0x11: {  	[sflag:s6] =	ssyncpa.u1 $0x0;
	s7 =	simm.s32 $0x2;
	s9 =	simm.s32 @!p0 $0x0  }
0x12: {  	[sflag:s7] =	ssyncpa.u1 $0x0;
	p0 =	por $0x0, $0x0;
	s8 =	sadd.s32 s8, s9  }
0x13: {  	vm0 =	vmmov $0xff;
	vm1 =	vcmask $0x3F20;
	s9 =	sadd.s32 $0x4E200, s4;
	[sflag:s10] =	ssyncpa.u1 $0x0;
	s10 =	sadd.s32 $0x1, s8  }
.LBB2_6:
0x14: {  	[hbm:s17] =	stream.linear.scatter [tilespmem:s14], [sflag:$0x3], $0x400, $0x38;
	[tilespmem:$0x50A0] =	vst v63  }
.LBB2_7:
0x15: {  	s13 =	sadd.s32 $0x50, s11  }
0x16: {  	s15 =	smov.u32 s1;
	p2 =	slt.s32 s13, s3  }
0x17: {  	s15 =	smov.u32 @p2 s13;
	p2 =	sne.s32 s12, s10  }
.Ltmp1:
0x18: {  	p1 =	slt.u32 s12, $0x2;
	(pc) =	sbr.rel @!p2 .LBB2_8-.Ltmp1, $4  }
0x19: {  	s14 =	simm.s32 @!p1 $0x3  }
0x1a: {  	s16 =	sadd.s32 $0x1, s12;
	_ =	swait.ge @!p1 [sflag:s14], $0x2800  }
0x1b: {  	p0 =	por !p0, !p0;
	s13 =	smov.u32 s11;
	[sflag:s14] =	ssyncset.done @!p1 $0x0  }
0x1c: {  	s12 =	smov.u32 s16;
	s11 =	smov.u32 s15;
	[sflag:s14] =	ssyncadd.s32 @!p1 $0xFFFFD800  }
.LBB2_1:
0x1d: {  	p1 =	sge.u32 s12, s8  }
0x1e: {  	s14 =	sxor.u32 @!p1 $0xFFFFFFFF, s12  }
0x1f: {  	s14 =	sand.u32 @!p1 $0x1, s14  }
0x20: {  	s14 =	smul.u32 @!p1 $0x140, s14  }
0x21: {  	s31 =	sadd.s32 $0xFFFFFFFF, s12;
	s15 =	sshrl.u32 @!p1 s11, $0x3  }
0x22: {  	s16 =	sand.u32 @!p1 $0x7, s11;
	s15 =	sadd.s32 @!p1 s5, s15;
	s14 =	sshrl.u32 @!p1 s14, $0x2  }
0x23: {  	[tilespmem:s14], [sflag:$0x2] =	stream.linear.gather @!p1 [hbm4b:s15+s16], $0x50, $0x38;
	[tilespmem:$0x50A0] =	vst v63  }
0x24: {  	p1 =	sge.u32 s31, s8  }
.Ltmp2:
0x25: {  	_ = 	snop;
	(pc) =	sbr.rel @p1 .LBB2_7-.Ltmp2, $1  }
0x26: {  	_ =	sdelay $0x3  }
0x27: {  	s14 =	simm.s32 $0x1  }
0x28: {  	s14 =	simm.s32 @!p0 $0x0  }
0x29: {  	s15 =	smul.u32 $0x140, s14  }
0x2a: {  	_ =	swait.ge [sflag:s7], $0x50  }
0x2b: {  	[sflag:s7] =	ssyncset.done $0x0;
	s16 =	sshrl.u32 s15, $0x2  }
0x2c: {  	[sflag:s7] =	ssyncadd.s32 $0xFFFFFFB0;
	s15 =	sadd.s32 $0x0, s16  }
0x2d: {  	v0 =	vld.msk [tilespmem:s15+$0x0 ss:$0x1], $0xffff;
	_ =	sdelay $0x4  }
0x2e: {  	vm2 =	vgt.s32 v0, $0x0  }
0x2f: {  	v0 =	vnsel vm2, $0x0, v0  }
0x30: {  	v0 =	vmin.u32 v0, $0x4E1F  }
0x31: {  	v0 =	vshll.u32 v0, $0x4  }
0x32: {  	s14 =	smul.u32 $0xA000, s14;
	_ =	sdelay $0x1  }
0x33: {  	s14 =	sshrl.u32 s14, $0x2  }
0x34: {  	s14 =	sor.u32 $0xA0, s14  }
0x35: {  	[tilespmem:s14], [sflag:$0x1] =	stream.indirect_vreg.gather [hbm:s4], $0x80, v0, vm0, $0x38;
	[tilespmem:$0x50A0] =	vst v63  }
0x36: {  	s17 =	sadd.s32 $0x10, s16;
	s15 =	sadd.s32 $0x400, s14  }
0x37: {  	[tilespmem:s15], [sflag:$0x1] =	stream.indirect_vreg.gather [hbm:s4], $0x80, v0, vm1, $0x38;
	[tilespmem:$0x50A0] =	vst v63  }
0x38: {  	s18 =	simm.s32 $0x80;
	v0 =	vld.msk [tilespmem:s17+$0x0 ss:$0x1], $0xffff;
	s17 =	smov.u32 s14  }
.LBB2_3:
0x39: {  	p1 =	sne.s32 s18, $0x100;
	_ =	sdelay $0x4  }
0x3a: {  	vm2 =	vgt.s32 v0, $0x0  }
0x3b: {  	v0 =	vnsel vm2, $0x0, v0  }
0x3c: {  	v0 =	vmin.u32 v0, $0x4E1F  }
0x3d: {  	v0 =	vshll.u32 v0, $0x4;
	_ =	sdelay $0x3  }
.Ltmp3:
0x3e: {  	s19 =	sshra.s32 s18, $0x2;
	s17 =	sadd.s32 $0x800, s17;
	(pc) =	sbr.rel @p1 .LBB2_3-.Ltmp3, $4  }
0x3f: {  	[tilespmem:s17], [sflag:$0x1] =	stream.indirect_vreg.gather [hbm:s4], $0x80, v0, vm0, $0x38;
	[tilespmem:$0x50A0] =	vst v63  }
0x40: {  	s19 =	sadd.s32 s19, s16;
	s20 =	sadd.s32 $0x400, s17  }
0x41: {  	[tilespmem:s20], [sflag:$0x1] =	stream.indirect_vreg.gather [hbm:s4], $0x80, v0, vm1, $0x38;
	[tilespmem:$0x50A0] =	vst v63  }
0x42: {  	s18 =	sadd.s32 $0x40, s18;
	v0 =	vld.msk [tilespmem:s19+$0x0 ss:$0x1], $0xffff  }
0x43: {  	_ =	sdelay $0x3  }
0x44: {  	vm2 =	vgt.s32 v0, $0x0  }
0x45: {  	v0 =	vnsel vm2, $0x0, v0  }
0x46: {  	v0 =	vmin.u32 v0, $0x4E1F  }
0x47: {  	v0 =	vshll.u32 v0, $0x4;
	_ =	sdelay $0x3  }
0x48: {  	s16 =	sadd.s32 $0x800, s17  }
0x49: {  	[tilespmem:s16], [sflag:$0x1] =	stream.indirect_vreg.gather [hbm:s4], $0x80, v0, vm0, $0x38;
	[tilespmem:$0x50A0] =	vst v63  }
0x4a: {  	s16 =	sadd.s32 $0x400, s16  }
0x4b: {  	[tilespmem:s16], [sflag:$0x1] =	stream.indirect_vreg.gather [hbm:s4], $0x80, v0, vm1, $0x38;
	[tilespmem:$0x50A0] =	vst v63  }
0x4c: {  	s13 =	sshll.u32 s13, $0x4;
	_ =	swait.ge [sflag:s6], $0x2800  }
0x4d: {  	s13 =	sadd.s32 s13, s9;
	[sflag:s6] =	ssyncset.done $0x0  }
0x4e: {  	s17 =	sadd.s32 $0x0, s13;
	s16 =	simm.s32 $0x80;
	[sflag:s6] =	ssyncadd.s32 $0xFFFFD800  }
.LBB2_5:
0x4f: {  	[hbm:s17] =	stream.linear.scatter [tilespmem:s14], [sflag:$0x3], $0x400, $0x38;
	[tilespmem:$0x50A0] =	vst v63  }
0x50: {  	s17 =	smov.u32 s16;
	s14 =	smov.u32 s15;
	p1 =	sne.s32 s16, $0x480  }
.Ltmp4:
0x51: {  	s16 =	sadd.s32 $0x80, s16;
	(pc) =	sbr.rel @p1 .LBB2_5-.Ltmp4, $2  }
0x52: {  	_ =	sdelay $0x2  }
0x53: {  	s15 =	sadd.s32 $0x400, s15;
	s17 =	sadd.s32 s17, s13  }
.Ltmp5:
0x54: {  	_ = 	snop;
	(pc) =	sbr.rel .LBB2_6-.Ltmp5, $1  }
0x55: {  	_ =	sdelay $0x3  }
.LBB2_8:
0x56: {  	_ =	sfence.sel $0x180000  }
0x57: {  	s1 =	simm.s32 $0x2;
	[bflag:$0x0] =	sbarrier.arrive $0xFFFF  }
0x58: {  	s30 =	simm.s32 $0x3;
	[sflag:s1] =	ssyncpa.u1 $0x1  }
0x59: {  	s31 =	simm.s32 $0x1;
	[sflag:s30] =	ssyncpa.u1 $0x1  }
0x5a: {  	[sflag:s31] =	ssyncpa.u1 $0x1  }
0x5b: {  	p0 =	sne.s32 s0, $0x0;
	_ =	strace $0x90000047  }
0x5c: {  	s0 =	sadd.s32 @!p0 $0x100000, s2;
	[bflag:$0x2] =	sbarrier.arrive $0xFFFF  }
0x5d: {  	[sflag:s0] =	ssyncadd.tile.s32 @!p0 $0x1;
	_ =	shalt  }
.Lfunc_end2:
_tile_overlayer_lowered:
.L_overlay_start_2:
0x5e: {  	(tag) =	ssettag $0x2  }
0x5f: {  	s0 =	rddreg [dreg:$0x0];
	s2 =	stileid.u32  }
0x60: {  	s1 =	rddreg [dreg:$0x1];
	p0 =	sne.s32 s2, $0x0  }
0x61: {  	s3 =	rddreg [dreg:$0x2];
	[bflag:$0x3] =	sbarrier.arrive $0xFFFF;
	s2 =	simm.s32 @!p0 $0x1C01  }
0x62: {  	[timem:s3], [sflag:s2] =	dma.local @!p0 [hbm:s0], s1  }
0x63: {  	s0 =	simm.s32 @!p0 $0x1  }
0x64: {  	_ =	swait.ge @!p0 [sflag:s0], s1  }
0x65: {  	s1 =	ssub.s32 @!p0 $0x0, s1;
	[sflag:s0] =	ssyncset.done @!p0 $0x0  }
0x66: {  	[sflag:s0] =	ssyncadd.s32 @!p0 s1  }
0x67: {  	[bflag:$0x3] =	sbarrier.arrive $0xFFFF  }
0x68: {  	_ =	shalt  }

</sc_bundles>
